<compile_context>
chip_gen: v7x
topology: tpu7x:2x2x1
jax: 0.10.2.dev20260603
libtpu: 0.0.44.dev20260713+nightly
codegen_flags: <defaults>
</compile_context>

<pallas_src>
import functools

import jax
import jax.numpy as jnp
from jax import lax
from jax.experimental import pallas as pl
from jax.experimental.pallas import tpu as pltpu
from jax.experimental.pallas import tpu_sc as plsc

_K = 8192
_D = 32
_N = 8192
_R = 256
_G = _N // _R
_BETA = 0.25

_NC, _NS = 2, 16
_NW = _NC * _NS
_RW = _N // _NW
_IC = 128

_T = 128
_NT = _K // _T


def _tc_body(x_ref, br_ref, er_ref, idx_ref):
    x = x_ref[...]
    x2 = x + x
    a = jnp.sum(x * x, axis=1, keepdims=True)
    minv = None
    jmin = None
    for j in range(_NT):
        et = er_ref[pl.ds(j * _T, _T), :]
        m2t = lax.dot_general(x2, et, (((1,), (1,)), ((), ())),
                              preferred_element_type=jnp.float32)
        d = (a + br_ref[:, pl.ds(j * _T, _T)]) - m2t
        if j == 0:
            minv = d
            jmin = jnp.zeros((_R, _T), jnp.float32)
        else:
            c = d < minv
            minv = jnp.where(c, d, minv)
            jmin = jnp.where(c, jnp.float32(j), jmin)
    gmin = jnp.min(minv, axis=1, keepdims=True)
    lane = lax.broadcasted_iota(jnp.int32, (_R, _T), 1).astype(jnp.float32)
    key = jmin * jnp.float32(_T) + lane
    idx = jnp.min(jnp.where(minv == gmin, key, jnp.float32(_K)), axis=1)
    idx_ref[...] = idx.astype(jnp.int32)


_tc_call = pl.pallas_call(
    _tc_body,
    grid=(_G,),
    in_specs=[
        pl.BlockSpec((_R, _D), lambda i: (i, 0)),
        pl.BlockSpec((1, _K), lambda i: (0, 0)),
        pl.BlockSpec((_K, _D), lambda i: (0, 0)),
    ],
    out_specs=pl.BlockSpec((_R,), lambda i: (i,)),
    out_shape=jax.ShapeDtypeStruct((_N,), jnp.int32),
)


_sc_mesh = plsc.VectorSubcoreMesh(core_axis_name="c", subcore_axis_name="s")


@functools.partial(
    pl.kernel,
    out_type=[
        jax.ShapeDtypeStruct((_N, _D), jnp.float32),
        jax.ShapeDtypeStruct((_NW * 16,), jnp.float32),
    ],
    mesh=_sc_mesh,
    compiler_params=pltpu.CompilerParams(use_tc_tiling_on_sc=False),
    scratch_types=[
        pltpu.VMEM((_IC,), jnp.int32),
        pltpu.VMEM((_IC,), jnp.int32),
        pltpu.VMEM((_RW, _D), jnp.float32),
        pltpu.VMEM((_RW, _D), jnp.float32),
        pltpu.VMEM((16,), jnp.float32),
        pltpu.SemaphoreType.DMA,
    ],
)
def _sc_gather(e_hbm, idx_hbm, x_hbm, out_hbm, ls_hbm,
               idx_v0, idx_v1, q_v, x_v, acc_v, sem):
    wid = lax.axis_index("s") * _NC + lax.axis_index("c")
    base = wid * _RW
    pltpu.sync_copy(idx_hbm.at[pl.ds(base, _IC)], idx_v0)
    pltpu.sync_copy(idx_hbm.at[pl.ds(base + _IC, _IC)], idx_v1)
    pltpu.sync_copy(x_hbm.at[pl.ds(base, _RW), :], x_v)
    cp0 = pltpu.async_copy(e_hbm.at[idx_v0], q_v.at[pl.ds(0, _IC), :], sem)
    cp1 = pltpu.async_copy(e_hbm.at[idx_v1], q_v.at[pl.ds(_IC, _IC), :], sem)
    cp0.wait()
    cp1.wait()

    def body(i, acc):
        xa = x_v[i, pl.ds(0, 16)]
        da = q_v[i, pl.ds(0, 16)] - xa
        x_v[i, pl.ds(0, 16)] = xa + da
        xb = x_v[i, pl.ds(16, 16)]
        db = q_v[i, pl.ds(16, 16)] - xb
        x_v[i, pl.ds(16, 16)] = xb + db
        return acc + da * da + db * db

    acc = lax.fori_loop(0, _RW, body, jnp.zeros((16,), jnp.float32))
    acc_v[...] = acc
    pltpu.sync_copy(x_v, out_hbm.at[pl.ds(base, _RW), :])
    pltpu.sync_copy(acc_v, ls_hbm.at[pl.ds(wid * 16, 16)])


def kernel(inputs, embedding_weight):
    x = jnp.transpose(inputs, (0, 2, 3, 1)).reshape(_N, _D)
    b = jnp.sum(embedding_weight ** 2, axis=1).reshape(1, _K)
    idx = _tc_call(x, b, embedding_weight)
    out2d, ls = _sc_gather(embedding_weight, idx, x)
    loss = (1.0 + _BETA) * jnp.sum(ls) / jnp.float32(_N * _D)
    out = out2d.reshape(8, 32, 32, _D).transpose(0, 3, 1, 2)
    return (loss, out)

# --- scband reference (transcript-rebuilt; emitter-appended) ---
"""Pipeline reference for scband-vect-quantize-30829275251358 (READ-ONLY COPY).

The authoritative reference and input builder live on the scoring server;
editing this copy changes nothing except your own understanding.
"""

import jax, jax.numpy as jnp
import numpy as np

NUM_EMBED = 8192
EMBED_DIM = 32
BETA = 0.25


def setup_inputs(seed: int = 0) -> dict:
    key = jax.random.key(seed)
    k1, k2 = jax.random.split(key)
    inputs = jax.random.normal(k1, (8, EMBED_DIM, 32, 32), dtype=jnp.float32)
    embedding_weight = jax.random.uniform(
        k2, (NUM_EMBED, EMBED_DIM), dtype=jnp.float32,
        minval=-1.0 / NUM_EMBED, maxval=1.0 / NUM_EMBED)
    return {"inputs": inputs, "embedding_weight": embedding_weight}


def reference(inputs, embedding_weight):
    # inputs: [B, C, H, W] -> [B, H, W, C]
    x = jnp.transpose(inputs, (0, 2, 3, 1))
    flat = x.reshape(-1, EMBED_DIM)
    dist = (jnp.sum(flat ** 2, axis=1, keepdims=True)
            + jnp.sum(embedding_weight ** 2, axis=1)
            - 2.0 * jnp.matmul(flat, embedding_weight.T))
    encode_indices = jnp.argmin(dist, axis=1)
    encode = jax.nn.one_hot(encode_indices, NUM_EMBED, dtype=flat.dtype)
    quantized = jnp.matmul(encode, embedding_weight).reshape(x.shape)
    e_loss = jnp.mean((jax.lax.stop_gradient(quantized) - x) ** 2)
    ze_loss = jnp.mean((quantized - jax.lax.stop_gradient(x)) ** 2)
    loss = ze_loss + BETA * e_loss
    quantized_st = x + jax.lax.stop_gradient(quantized - x)
    out = jnp.transpose(quantized_st, (0, 3, 1, 2))
    return (loss, out)

if __name__ == "__main__":
    import jax
    _d = setup_inputs()
    print(jax.jit(kernel)(*tuple(_d.values())))

</pallas_src>

<mosaic_0001>
#map = affine_map<(d0, d1) -> (0, 0)>
#map1 = affine_map<(d0, d1) -> (0)>
module attributes {stable_mosaic.version = 14 : i64} {
  func.func @_sc_gather(%arg0: i32, %arg1: i32, %arg2: memref<8192x32xf32, #tpu.memory_space<hbm>>, %arg3: memref<8192xi32, #tpu.memory_space<hbm>>, %arg4: memref<8192x32xf32, #tpu.memory_space<hbm>>, %arg5: memref<8192x32xf32, #tpu.memory_space<hbm>>, %arg6: memref<512xf32, #tpu.memory_space<hbm>>, %arg7: memref<128xi32, #tpu.memory_space<vmem>>, %arg8: memref<128xi32, #tpu.memory_space<vmem>>, %arg9: memref<256x32xf32, #tpu.memory_space<vmem>>, %arg10: memref<256x32xf32, #tpu.memory_space<vmem>>, %arg11: memref<16xf32, #tpu.memory_space<vmem>>, %arg12: memref<!tpu.dma_semaphore, #tpu.memory_space<semaphore_mem>>) attributes {dimension_semantics = [#tpu.dimension_semantics<core_parallel>, #tpu.dimension_semantics<subcore_parallel>], iteration_bounds = array<i64: 2, 16>, scalar_prefetch = 0 : i64, scratch_operands = 6 : i64, tpu.core_type = #tpu.core_type<sc_vector_subcore>, window_params = [{transform_indices = #map}, {transform_indices = #map1}, {transform_indices = #map}, {transform_indices = #map}, {transform_indices = #map1}]} {
    %mul3A = arith.constant 2 : i32
    %mul3A_0 = arith.muli %arg1, %mul3A : i32
    %add3A = arith.addi %mul3A_0, %arg0 : i32
    %mul3A_1 = arith.constant 256 : i32
    %mul3A_2 = arith.muli %add3A, %mul3A_1 : i32
    "tpu.region"() ({
      %run_scoped3A = tpu.sem_alloc : memref<!tpu.dma_semaphore, #tpu.memory_space<semaphore_mem>>
      %dma_start3A_38 = tpu.memref_slice %arg3[%mul3A_2] : memref<8192xi32, #tpu.memory_space<hbm>> -> memref<128xi32, #tpu.memory_space<hbm>>
      %dma_start3A_39 = tpu.memref_slice %arg3[%mul3A_2] : memref<8192xi32, #tpu.memory_space<hbm>> -> memref<128xi32, #tpu.memory_space<hbm>>
      tpu.enqueue_dma source(%dma_start3A_39 : memref<128xi32, #tpu.memory_space<hbm>>) target(%arg7 : memref<128xi32, #tpu.memory_space<vmem>>) target_semaphore(%run_scoped3A : memref<!tpu.dma_semaphore, #tpu.memory_space<semaphore_mem>>)
      %dma_wait3A_40 = tpu.memref_slice %arg3[%mul3A_2] : memref<8192xi32, #tpu.memory_space<hbm>> -> memref<128xi32, #tpu.memory_space<hbm>>
      %dma_wait3A_41 = tpu.memref_slice %arg3[%mul3A_2] : memref<8192xi32, #tpu.memory_space<hbm>> -> memref<128xi32, #tpu.memory_space<hbm>>
      tpu.wait_dma2 semaphore(%run_scoped3A : memref<!tpu.dma_semaphore, #tpu.memory_space<semaphore_mem>>) src(%dma_wait3A_41 : memref<128xi32, #tpu.memory_space<hbm>>) dst(%arg7 : memref<128xi32, #tpu.memory_space<vmem>>)
      tpu.yield
    }) : () -> ()
    %add3A_3 = arith.constant 128 : i32
    %add3A_4 = arith.addi %mul3A_2, %add3A_3 : i32
    "tpu.region"() ({
      %run_scoped3A = tpu.sem_alloc : memref<!tpu.dma_semaphore, #tpu.memory_space<semaphore_mem>>
      %dma_start3A_38 = tpu.memref_slice %arg3[%add3A_4] : memref<8192xi32, #tpu.memory_space<hbm>> -> memref<128xi32, #tpu.memory_space<hbm>>
      %dma_start3A_39 = tpu.memref_slice %arg3[%add3A_4] : memref<8192xi32, #tpu.memory_space<hbm>> -> memref<128xi32, #tpu.memory_space<hbm>>
      tpu.enqueue_dma source(%dma_start3A_39 : memref<128xi32, #tpu.memory_space<hbm>>) target(%arg8 : memref<128xi32, #tpu.memory_space<vmem>>) target_semaphore(%run_scoped3A : memref<!tpu.dma_semaphore, #tpu.memory_space<semaphore_mem>>)
      %dma_wait3A_40 = tpu.memref_slice %arg3[%add3A_4] : memref<8192xi32, #tpu.memory_space<hbm>> -> memref<128xi32, #tpu.memory_space<hbm>>
      %dma_wait3A_41 = tpu.memref_slice %arg3[%add3A_4] : memref<8192xi32, #tpu.memory_space<hbm>> -> memref<128xi32, #tpu.memory_space<hbm>>
      tpu.wait_dma2 semaphore(%run_scoped3A : memref<!tpu.dma_semaphore, #tpu.memory_space<semaphore_mem>>) src(%dma_wait3A_41 : memref<128xi32, #tpu.memory_space<hbm>>) dst(%arg8 : memref<128xi32, #tpu.memory_space<vmem>>)
      tpu.yield
    }) : () -> ()
    "tpu.region"() ({
      %run_scoped3A = tpu.sem_alloc : memref<!tpu.dma_semaphore, #tpu.memory_space<semaphore_mem>>
      %dma_start3A_38 = arith.constant 0 : i32
      %dma_start3A_39 = tpu.memref_slice %arg4[%mul3A_2, %dma_start3A_38] : memref<8192x32xf32, #tpu.memory_space<hbm>> -> memref<256x32xf32, #tpu.memory_space<hbm>>
      %dma_start3A_40 = arith.constant 0 : i32
      %dma_start3A_41 = tpu.memref_slice %arg4[%mul3A_2, %dma_start3A_40] : memref<8192x32xf32, #tpu.memory_space<hbm>> -> memref<256x32xf32, #tpu.memory_space<hbm>>
      tpu.enqueue_dma source(%dma_start3A_41 : memref<256x32xf32, #tpu.memory_space<hbm>>) target(%arg10 : memref<256x32xf32, #tpu.memory_space<vmem>>) target_semaphore(%run_scoped3A : memref<!tpu.dma_semaphore, #tpu.memory_space<semaphore_mem>>)
      %dma_wait3A_42 = arith.constant 0 : i32
      %dma_wait3A_43 = tpu.memref_slice %arg4[%mul3A_2, %dma_wait3A_42] : memref<8192x32xf32, #tpu.memory_space<hbm>> -> memref<256x32xf32, #tpu.memory_space<hbm>>
      %dma_wait3A_44 = arith.constant 0 : i32
      %dma_wait3A_45 = tpu.memref_slice %arg4[%mul3A_2, %dma_wait3A_44] : memref<8192x32xf32, #tpu.memory_space<hbm>> -> memref<256x32xf32, #tpu.memory_space<hbm>>
      tpu.wait_dma2 semaphore(%run_scoped3A : memref<!tpu.dma_semaphore, #tpu.memory_space<semaphore_mem>>) src(%dma_wait3A_45 : memref<256x32xf32, #tpu.memory_space<hbm>>) dst(%arg10 : memref<256x32xf32, #tpu.memory_space<vmem>>)
      tpu.yield
    }) : () -> ()
    %dma_start3A = arith.constant 0 : i32
    %dma_start3A_5 = arith.constant 0 : i32
    %dma_start3A_6 = tpu.memref_slice %arg9[%dma_start3A, %dma_start3A_5] : memref<256x32xf32, #tpu.memory_space<vmem>> -> memref<128x32xf32, #tpu.memory_space<vmem>>
    %dma_start3A_7 = arith.constant 0 : i32
    %dma_start3A_8 = arith.constant 0 : i32
    %dma_start3A_9 = tpu.memref_slice %arg2[%dma_start3A_7, %dma_start3A_8] : memref<8192x32xf32, #tpu.memory_space<hbm>> -> memref<8192x32xf32, #tpu.memory_space<hbm>>
    tpu.enqueue_indirect_dma source(%dma_start3A_9 : memref<8192x32xf32, #tpu.memory_space<hbm>>) target(%dma_start3A_6 : memref<128x32xf32, #tpu.memory_space<vmem>>) offsets(%arg7 : memref<128xi32, #tpu.memory_space<vmem>>) semaphore(%arg12 : memref<!tpu.dma_semaphore, #tpu.memory_space<semaphore_mem>>)
    %dma_start3A_10 = arith.constant 128 : i32
    %dma_start3A_11 = arith.constant 0 : i32
    %dma_start3A_12 = tpu.memref_slice %arg9[%dma_start3A_10, %dma_start3A_11] : memref<256x32xf32, #tpu.memory_space<vmem>> -> memref<128x32xf32, #tpu.memory_space<vmem>>
    %dma_start3A_13 = arith.constant 0 : i32
    %dma_start3A_14 = arith.constant 0 : i32
    %dma_start3A_15 = tpu.memref_slice %arg2[%dma_start3A_13, %dma_start3A_14] : memref<8192x32xf32, #tpu.memory_space<hbm>> -> memref<8192x32xf32, #tpu.memory_space<hbm>>
    tpu.enqueue_indirect_dma source(%dma_start3A_15 : memref<8192x32xf32, #tpu.memory_space<hbm>>) target(%dma_start3A_12 : memref<128x32xf32, #tpu.memory_space<vmem>>) offsets(%arg8 : memref<128xi32, #tpu.memory_space<vmem>>) semaphore(%arg12 : memref<!tpu.dma_semaphore, #tpu.memory_space<semaphore_mem>>)
    %dma_wait3A = arith.constant 0 : i32
    %dma_wait3A_16 = arith.constant 0 : i32
    %dma_wait3A_17 = tpu.memref_slice %arg9[%dma_wait3A, %dma_wait3A_16] : memref<256x32xf32, #tpu.memory_space<vmem>> -> memref<128x32xf32, #tpu.memory_space<vmem>>
    %dma_wait3A_18 = arith.constant 0 : i32
    %dma_wait3A_19 = arith.constant 0 : i32
    %dma_wait3A_20 = tpu.memref_slice %arg2[%dma_wait3A_18, %dma_wait3A_19] : memref<8192x32xf32, #tpu.memory_space<hbm>> -> memref<8192x32xf32, #tpu.memory_space<hbm>>
    tpu.wait_indirect_dma semaphore(%arg12 : memref<!tpu.dma_semaphore, #tpu.memory_space<semaphore_mem>>) src(%dma_wait3A_20 : memref<8192x32xf32, #tpu.memory_space<hbm>>) dst(%dma_wait3A_17 : memref<128x32xf32, #tpu.memory_space<vmem>>)
    %dma_wait3A_21 = arith.constant 128 : i32
    %dma_wait3A_22 = arith.constant 0 : i32
    %dma_wait3A_23 = tpu.memref_slice %arg9[%dma_wait3A_21, %dma_wait3A_22] : memref<256x32xf32, #tpu.memory_space<vmem>> -> memref<128x32xf32, #tpu.memory_space<vmem>>
    %dma_wait3A_24 = arith.constant 0 : i32
    %dma_wait3A_25 = arith.constant 0 : i32
    %dma_wait3A_26 = tpu.memref_slice %arg2[%dma_wait3A_24, %dma_wait3A_25] : memref<8192x32xf32, #tpu.memory_space<hbm>> -> memref<8192x32xf32, #tpu.memory_space<hbm>>
    tpu.wait_indirect_dma semaphore(%arg12 : memref<!tpu.dma_semaphore, #tpu.memory_space<semaphore_mem>>) src(%dma_wait3A_26 : memref<8192x32xf32, #tpu.memory_space<hbm>>) dst(%dma_wait3A_23 : memref<128x32xf32, #tpu.memory_space<vmem>>)
    %broadcast_in_dim3A = arith.constant 0.000000e+00 : f32
    %broadcast_in_dim3A_27 = vector.broadcast %broadcast_in_dim3A : f32 to vector<16xf32>
    %scan3A = arith.constant 0 : i32
    %scan3A_28 = arith.constant 256 : i32
    %scan3A_29 = arith.addi %scan3A, %scan3A_28 : i32
    %scan3A_30 = arith.constant 1 : i32
    %scan3A_31 = scf.for %scan3A_38 = %scan3A to %scan3A_29 step %scan3A_30 iter_args(%scan3A_39 = %broadcast_in_dim3A_27) -> (vector<16xf32>)  : i32 {
      %get3A = arith.index_cast %scan3A_38 : i32 to index
      %get3A_40 = arith.constant 0 : index
      %get3A_41 = tpu.vector_load %arg10[%get3A, %get3A_40] {strides = array<i32>} : memref<256x32xf32, #tpu.memory_space<vmem>>, vector<1x16xf32>,
      %get3A_42 = vector.shape_cast %get3A_41 : vector<1x16xf32> to vector<16xf32>
      %get3A_43 = arith.index_cast %scan3A_38 : i32 to index
      %get3A_44 = arith.constant 0 : index
      %get3A_45 = tpu.vector_load %arg9[%get3A_43, %get3A_44] {strides = array<i32>} : memref<256x32xf32, #tpu.memory_space<vmem>>, vector<1x16xf32>,
      %get3A_46 = vector.shape_cast %get3A_45 : vector<1x16xf32> to vector<16xf32>
      %sub3A = arith.subf %get3A_46, %get3A_42 : vector<16xf32>
      %add3A_47 = arith.addf %get3A_42, %sub3A : vector<16xf32>
      %swap3A_48 = arith.index_cast %scan3A_38 : i32 to index
      %swap3A_49 = arith.constant 0 : index
      %swap3A_50 = tpu.vector_load %arg10[%swap3A_48, %swap3A_49] {strides = array<i32>} : memref<256x32xf32, #tpu.memory_space<vmem>>, vector<1x16xf32>,
      %swap3A_51 = vector.shape_cast %swap3A_50 : vector<1x16xf32> to vector<16xf32>
      %swap3A_52 = vector.shape_cast %add3A_47 : vector<16xf32> to vector<1x16xf32>
      tpu.vector_store %arg10[%swap3A_48, %swap3A_49], %swap3A_52 {strides = array<i32>} : memref<256x32xf32, #tpu.memory_space<vmem>>, vector<1x16xf32>,
      %get3A_53 = arith.index_cast %scan3A_38 : i32 to index
      %get3A_54 = arith.constant 16 : index
      %get3A_55 = tpu.vector_load %arg10[%get3A_53, %get3A_54] {strides = array<i32>} : memref<256x32xf32, #tpu.memory_space<vmem>>, vector<1x16xf32>,
      %get3A_56 = vector.shape_cast %get3A_55 : vector<1x16xf32> to vector<16xf32>
      %get3A_57 = arith.index_cast %scan3A_38 : i32 to index
      %get3A_58 = arith.constant 16 : index
      %get3A_59 = tpu.vector_load %arg9[%get3A_57, %get3A_58] {strides = array<i32>} : memref<256x32xf32, #tpu.memory_space<vmem>>, vector<1x16xf32>,
      %get3A_60 = vector.shape_cast %get3A_59 : vector<1x16xf32> to vector<16xf32>
      %sub3A_61 = arith.subf %get3A_60, %get3A_56 : vector<16xf32>
      %add3A_62 = arith.addf %get3A_56, %sub3A_61 : vector<16xf32>
      %swap3A_63 = arith.index_cast %scan3A_38 : i32 to index
      %swap3A_64 = arith.constant 16 : index
      %swap3A_65 = tpu.vector_load %arg10[%swap3A_63, %swap3A_64] {strides = array<i32>} : memref<256x32xf32, #tpu.memory_space<vmem>>, vector<1x16xf32>,
      %swap3A_66 = vector.shape_cast %swap3A_65 : vector<1x16xf32> to vector<16xf32>
      %swap3A_67 = vector.shape_cast %add3A_62 : vector<16xf32> to vector<1x16xf32>
      tpu.vector_store %arg10[%swap3A_63, %swap3A_64], %swap3A_67 {strides = array<i32>} : memref<256x32xf32, #tpu.memory_space<vmem>>, vector<1x16xf32>,
      %mul3A_68 = arith.mulf %sub3A, %sub3A : vector<16xf32>
      %add3A_69 = arith.addf %scan3A_39, %mul3A_68 : vector<16xf32>
      %mul3A_70 = arith.mulf %sub3A_61, %sub3A_61 : vector<16xf32>
      %add3A_71 = arith.addf %add3A_69, %mul3A_70 : vector<16xf32>
      scf.yield %add3A_71 : vector<16xf32>
    }
    %scan3A_32 = arith.constant 256 : i32
    %swap3A = arith.constant 0 : index
    %swap3A_33 = tpu.vector_load %arg11[%swap3A] {strides = array<i32>} : memref<16xf32, #tpu.memory_space<vmem>>, vector<16xf32>,
    %swap3A_34 = vector.shape_cast %swap3A_33 : vector<16xf32> to vector<16xf32>
    %swap3A_35 = vector.shape_cast %scan3A_31 : vector<16xf32> to vector<16xf32>
    tpu.vector_store %arg11[%swap3A], %swap3A_35 {strides = array<i32>} : memref<16xf32, #tpu.memory_space<vmem>>, vector<16xf32>,
    "tpu.region"() ({
      %run_scoped3A = tpu.sem_alloc : memref<!tpu.dma_semaphore, #tpu.memory_space<semaphore_mem>>
      %dma_start3A_38 = arith.constant 0 : i32
      %dma_start3A_39 = tpu.memref_slice %arg5[%mul3A_2, %dma_start3A_38] : memref<8192x32xf32, #tpu.memory_space<hbm>> -> memref<256x32xf32, #tpu.memory_space<hbm>>
      %dma_start3A_40 = arith.constant 0 : i32
      %dma_start3A_41 = tpu.memref_slice %arg5[%mul3A_2, %dma_start3A_40] : memref<8192x32xf32, #tpu.memory_space<hbm>> -> memref<256x32xf32, #tpu.memory_space<hbm>>
      tpu.enqueue_dma source(%arg10 : memref<256x32xf32, #tpu.memory_space<vmem>>) target(%dma_start3A_41 : memref<256x32xf32, #tpu.memory_space<hbm>>) target_semaphore(%run_scoped3A : memref<!tpu.dma_semaphore, #tpu.memory_space<semaphore_mem>>)
      %dma_wait3A_42 = arith.constant 0 : i32
      %dma_wait3A_43 = tpu.memref_slice %arg5[%mul3A_2, %dma_wait3A_42] : memref<8192x32xf32, #tpu.memory_space<hbm>> -> memref<256x32xf32, #tpu.memory_space<hbm>>
      %dma_wait3A_44 = arith.constant 0 : i32
      %dma_wait3A_45 = tpu.memref_slice %arg5[%mul3A_2, %dma_wait3A_44] : memref<8192x32xf32, #tpu.memory_space<hbm>> -> memref<256x32xf32, #tpu.memory_space<hbm>>
      tpu.wait_dma2 semaphore(%run_scoped3A : memref<!tpu.dma_semaphore, #tpu.memory_space<semaphore_mem>>) src(%arg10 : memref<256x32xf32, #tpu.memory_space<vmem>>) dst(%dma_wait3A_45 : memref<256x32xf32, #tpu.memory_space<hbm>>)
      tpu.yield
    }) : () -> ()
    %mul3A_36 = arith.constant 16 : i32
    %mul3A_37 = arith.muli %add3A, %mul3A_36 : i32
    "tpu.region"() ({
      %run_scoped3A = tpu.sem_alloc : memref<!tpu.dma_semaphore, #tpu.memory_space<semaphore_mem>>
      %dma_start3A_38 = tpu.memref_slice %arg6[%mul3A_37] : memref<512xf32, #tpu.memory_space<hbm>> -> memref<16xf32, #tpu.memory_space<hbm>>
      %dma_start3A_39 = tpu.memref_slice %arg6[%mul3A_37] : memref<512xf32, #tpu.memory_space<hbm>> -> memref<16xf32, #tpu.memory_space<hbm>>
      tpu.enqueue_dma source(%arg11 : memref<16xf32, #tpu.memory_space<vmem>>) target(%dma_start3A_39 : memref<16xf32, #tpu.memory_space<hbm>>) target_semaphore(%run_scoped3A : memref<!tpu.dma_semaphore, #tpu.memory_space<semaphore_mem>>)
      %dma_wait3A_40 = tpu.memref_slice %arg6[%mul3A_37] : memref<512xf32, #tpu.memory_space<hbm>> -> memref<16xf32, #tpu.memory_space<hbm>>
      %dma_wait3A_41 = tpu.memref_slice %arg6[%mul3A_37] : memref<512xf32, #tpu.memory_space<hbm>> -> memref<16xf32, #tpu.memory_space<hbm>>
      tpu.wait_dma2 semaphore(%run_scoped3A : memref<!tpu.dma_semaphore, #tpu.memory_space<semaphore_mem>>) src(%arg11 : memref<16xf32, #tpu.memory_space<vmem>>) dst(%dma_wait3A_41 : memref<16xf32, #tpu.memory_space<hbm>>)
      tpu.yield
    }) : () -> ()
    return
  }
}

module attributes {stable_mosaic.version = 14 : i64} {
  func.func @_tc_body(%arg0: i32, %arg1: memref<256x32xf32, #tpu.memory_space<vmem>>, %arg2: memref<1x8192xf32, #tpu.memory_space<vmem>>, %arg3: memref<8192x32xf32, #tpu.memory_space<vmem>>, %arg4: memref<256xi32, #tpu.memory_space<vmem>>) attributes {dimension_semantics = [#tpu.dimension_semantics<arbitrary>], iteration_bounds = array<i64: 32>, scalar_prefetch = 0 : i64, scratch_operands = 0 : i64, tpu.core_type = #tpu.core_type<tc>, window_params = [{transform_indices = @transform_0, window_bounds = array<i64: 256, 32>}, {pipeline_mode = #tpu.pipeline_mode<synchronous>, transform_indices = @transform_1, window_bounds = array<i64: 1, 8192>}, {pipeline_mode = #tpu.pipeline_mode<synchronous>, transform_indices = @transform_2, window_bounds = array<i64: 8192, 32>}, {transform_indices = @transform_3, window_bounds = array<i64: 256>}]} {
    %get3A = arith.constant 0 : index
    %get3A_0 = arith.constant 0 : index
    %get3A_1 = vector.load %arg1[%get3A, %get3A_0] : memref<256x32xf32, #tpu.memory_space<vmem>>, vector<256x32xf32>
    %add3A = arith.addf %get3A_1, %get3A_1 : vector<256x32xf32>
    %mul3A = arith.mulf %get3A_1, %get3A_1 : vector<256x32xf32>
    %reduce_sum3A = arith.constant dense<0.000000e+00> : vector<256xf32>
    %reduce_sum3A_2 = vector.multi_reduction <add>, %mul3A, %reduce_sum3A [1] : vector<256x32xf32> to vector<256xf32>
    %broadcast_in_dim3A = vector.shape_cast %reduce_sum3A_2 : vector<256xf32> to vector<256x1xf32>
    %get3A_3 = arith.constant 0 : index
    %get3A_4 = arith.constant 0 : index
    %get3A_5 = vector.load %arg3[%get3A_3, %get3A_4] : memref<8192x32xf32, #tpu.memory_space<vmem>>, vector<128x32xf32>
    %dot_general3A = arith.constant dense<0.000000e+00> : vector<256x128xf32>
    %dot_general3A_6 = tpu.matmul %add3A, %get3A_5, %dot_general3A {dimension_numbers = #tpu.dot_dimension_numbers<[1], [1], [0], [0], [0, 0, 1, 0], [], []>, transpose_lhs_hint = false} : vector<256x32xf32>, vector<128x32xf32>, vector<256x128xf32> -> vector<256x128xf32>
    %get3A_7 = arith.constant 0 : index
    %get3A_8 = arith.constant 0 : index
    %get3A_9 = vector.load %arg2[%get3A_7, %get3A_8] : memref<1x8192xf32, #tpu.memory_space<vmem>>, vector<1x128xf32>
    %add3A_10 = vector.broadcast %broadcast_in_dim3A : vector<256x1xf32> to vector<256x128xf32>
    %add3A_11 = vector.broadcast %get3A_9 : vector<1x128xf32> to vector<256x128xf32>
    %add3A_12 = arith.addf %add3A_10, %add3A_11 : vector<256x128xf32>
    %sub3A = arith.subf %add3A_12, %dot_general3A_6 : vector<256x128xf32>
    %broadcast_in_dim3A_13 = arith.constant 0.000000e+00 : f32
    %broadcast_in_dim3A_14 = vector.broadcast %broadcast_in_dim3A_13 : f32 to vector<256x128xf32>
    %get3A_15 = arith.constant 128 : index
    %get3A_16 = arith.constant 0 : index
    %get3A_17 = vector.load %arg3[%get3A_15, %get3A_16] : memref<8192x32xf32, #tpu.memory_space<vmem>>, vector<128x32xf32>
    %dot_general3A_18 = arith.constant dense<0.000000e+00> : vector<256x128xf32>
    %dot_general3A_19 = tpu.matmul %add3A, %get3A_17, %dot_general3A_18 {dimension_numbers = #tpu.dot_dimension_numbers<[1], [1], [0], [0], [0, 0, 1, 0], [], []>, transpose_lhs_hint = false} : vector<256x32xf32>, vector<128x32xf32>, vector<256x128xf32> -> vector<256x128xf32>
    %get3A_20 = arith.constant 0 : index
    %get3A_21 = arith.constant 128 : index
    %get3A_22 = vector.load %arg2[%get3A_20, %get3A_21] : memref<1x8192xf32, #tpu.memory_space<vmem>>, vector<1x128xf32>
    %add3A_23 = vector.broadcast %broadcast_in_dim3A : vector<256x1xf32> to vector<256x128xf32>
    %add3A_24 = vector.broadcast %get3A_22 : vector<1x128xf32> to vector<256x128xf32>
    %add3A_25 = arith.addf %add3A_23, %add3A_24 : vector<256x128xf32>
    %sub3A_26 = arith.subf %add3A_25, %dot_general3A_19 : vector<256x128xf32>
    %lt3A = arith.cmpf olt, %sub3A_26, %sub3A : vector<256x128xf32>
    %select_n3A = arith.select %lt3A, %sub3A_26, %sub3A : vector<256x128xi1>, vector<256x128xf32>
    %jit3A = arith.constant 1.000000e+00 : f32
    %broadcast_in_dim3A_27 = vector.broadcast %jit3A : f32 to vector<256x128xf32>
    %select_n3A_28 = arith.select %lt3A, %broadcast_in_dim3A_27, %broadcast_in_dim3A_14 : vector<256x128xi1>, vector<256x128xf32>
    %get3A_29 = arith.constant 256 : index
    %get3A_30 = arith.constant 0 : index
    %get3A_31 = vector.load %arg3[%get3A_29, %get3A_30] : memref<8192x32xf32, #tpu.memory_space<vmem>>, vector<128x32xf32>
    %dot_general3A_32 = arith.constant dense<0.000000e+00> : vector<256x128xf32>
    %dot_general3A_33 = tpu.matmul %add3A, %get3A_31, %dot_general3A_32 {dimension_numbers = #tpu.dot_dimension_numbers<[1], [1], [0], [0], [0, 0, 1, 0], [], []>, transpose_lhs_hint = false} : vector<256x32xf32>, vector<128x32xf32>, vector<256x128xf32> -> vector<256x128xf32>
    %get3A_34 = arith.constant 0 : index
    %get3A_35 = arith.constant 256 : index
    %get3A_36 = vector.load %arg2[%get3A_34, %get3A_35] : memref<1x8192xf32, #tpu.memory_space<vmem>>, vector<1x128xf32>
    %add3A_37 = vector.broadcast %broadcast_in_dim3A : vector<256x1xf32> to vector<256x128xf32>
    %add3A_38 = vector.broadcast %get3A_36 : vector<1x128xf32> to vector<256x128xf32>
    %add3A_39 = arith.addf %add3A_37, %add3A_38 : vector<256x128xf32>
    %sub3A_40 = arith.subf %add3A_39, %dot_general3A_33 : vector<256x128xf32>
    %lt3A_41 = arith.cmpf olt, %sub3A_40, %select_n3A : vector<256x128xf32>
    %select_n3A_42 = arith.select %lt3A_41, %sub3A_40, %select_n3A : vector<256x128xi1>, vector<256x128xf32>
    %jit3A_43 = arith.constant 2.000000e+00 : f32
    %broadcast_in_dim3A_44 = vector.broadcast %jit3A_43 : f32 to vector<256x128xf32>
    %select_n3A_45 = arith.select %lt3A_41, %broadcast_in_dim3A_44, %select_n3A_28 : vector<256x128xi1>, vector<256x128xf32>
    %get3A_46 = arith.constant 384 : index
    %get3A_47 = arith.constant 0 : index
    %get3A_48 = vector.load %arg3[%get3A_46, %get3A_47] : memref<8192x32xf32, #tpu.memory_space<vmem>>, vector<128x32xf32>
    %dot_general3A_49 = arith.constant dense<0.000000e+00> : vector<256x128xf32>
    %dot_general3A_50 = tpu.matmul %add3A, %get3A_48, %dot_general3A_49 {dimension_numbers = #tpu.dot_dimension_numbers<[1], [1], [0], [0], [0, 0, 1, 0], [], []>, transpose_lhs_hint = false} : vector<256x32xf32>, vector<128x32xf32>, vector<256x128xf32> -> vector<256x128xf32>
    %get3A_51 = arith.constant 0 : index
    %get3A_52 = arith.constant 384 : index
    %get3A_53 = vector.load %arg2[%get3A_51, %get3A_52] : memref<1x8192xf32, #tpu.memory_space<vmem>>, vector<1x128xf32>
    %add3A_54 = vector.broadcast %broadcast_in_dim3A : vector<256x1xf32> to vector<256x128xf32>
    %add3A_55 = vector.broadcast %get3A_53 : vector<1x128xf32> to vector<256x128xf32>
    %add3A_56 = arith.addf %add3A_54, %add3A_55 : vector<256x128xf32>
    %sub3A_57 = arith.subf %add3A_56, %dot_general3A_50 : vector<256x128xf32>
    %lt3A_58 = arith.cmpf olt, %sub3A_57, %select_n3A_42 : vector<256x128xf32>
    %select_n3A_59 = arith.select %lt3A_58, %sub3A_57, %select_n3A_42 : vector<256x128xi1>, vector<256x128xf32>
    %jit3A_60 = arith.constant 3.000000e+00 : f32
    %broadcast_in_dim3A_61 = vector.broadcast %jit3A_60 : f32 to vector<256x128xf32>
    %select_n3A_62 = arith.select %lt3A_58, %broadcast_in_dim3A_61, %select_n3A_45 : vector<256x128xi1>, vector<256x128xf32>
    %get3A_63 = arith.constant 512 : index
    %get3A_64 = arith.constant 0 : index
    %get3A_65 = vector.load %arg3[%get3A_63, %get3A_64] : memref<8192x32xf32, #tpu.memory_space<vmem>>, vector<128x32xf32>
    %dot_general3A_66 = arith.constant dense<0.000000e+00> : vector<256x128xf32>
    %dot_general3A_67 = tpu.matmul %add3A, %get3A_65, %dot_general3A_66 {dimension_numbers = #tpu.dot_dimension_numbers<[1], [1], [0], [0], [0, 0, 1, 0], [], []>, transpose_lhs_hint = false} : vector<256x32xf32>, vector<128x32xf32>, vector<256x128xf32> -> vector<256x128xf32>
    %get3A_68 = arith.constant 0 : index
    %get3A_69 = arith.constant 512 : index
    %get3A_70 = vector.load %arg2[%get3A_68, %get3A_69] : memref<1x8192xf32, #tpu.memory_space<vmem>>, vector<1x128xf32>
    %add3A_71 = vector.broadcast %broadcast_in_dim3A : vector<256x1xf32> to vector<256x128xf32>
    %add3A_72 = vector.broadcast %get3A_70 : vector<1x128xf32> to vector<256x128xf32>
    %add3A_73 = arith.addf %add3A_71, %add3A_72 : vector<256x128xf32>
    %sub3A_74 = arith.subf %add3A_73, %dot_general3A_67 : vector<256x128xf32>
    %lt3A_75 = arith.cmpf olt, %sub3A_74, %select_n3A_59 : vector<256x128xf32>
    %select_n3A_76 = arith.select %lt3A_75, %sub3A_74, %select_n3A_59 : vector<256x128xi1>, vector<256x128xf32>
    %jit3A_77 = arith.constant 4.000000e+00 : f32
    %broadcast_in_dim3A_78 = vector.broadcast %jit3A_77 : f32 to vector<256x128xf32>
    %select_n3A_79 = arith.select %lt3A_75, %broadcast_in_dim3A_78, %select_n3A_62 : vector<256x128xi1>, vector<256x128xf32>
    %get3A_80 = arith.constant 640 : index
    %get3A_81 = arith.constant 0 : index
    %get3A_82 = vector.load %arg3[%get3A_80, %get3A_81] : memref<8192x32xf32, #tpu.memory_space<vmem>>, vector<128x32xf32>
    %dot_general3A_83 = arith.constant dense<0.000000e+00> : vector<256x128xf32>
    %dot_general3A_84 = tpu.matmul %add3A, %get3A_82, %dot_general3A_83 {dimension_numbers = #tpu.dot_dimension_numbers<[1], [1], [0], [0], [0, 0, 1, 0], [], []>, transpose_lhs_hint = false} : vector<256x32xf32>, vector<128x32xf32>, vector<256x128xf32> -> vector<256x128xf32>
    %get3A_85 = arith.constant 0 : index
    %get3A_86 = arith.constant 640 : index
    %get3A_87 = vector.load %arg2[%get3A_85, %get3A_86] : memref<1x8192xf32, #tpu.memory_space<vmem>>, vector<1x128xf32>
    %add3A_88 = vector.broadcast %broadcast_in_dim3A : vector<256x1xf32> to vector<256x128xf32>
    %add3A_89 = vector.broadcast %get3A_87 : vector<1x128xf32> to vector<256x128xf32>
    %add3A_90 = arith.addf %add3A_88, %add3A_89 : vector<256x128xf32>
    %sub3A_91 = arith.subf %add3A_90, %dot_general3A_84 : vector<256x128xf32>
    %lt3A_92 = arith.cmpf olt, %sub3A_91, %select_n3A_76 : vector<256x128xf32>
    %select_n3A_93 = arith.select %lt3A_92, %sub3A_91, %select_n3A_76 : vector<256x128xi1>, vector<256x128xf32>
    %jit3A_94 = arith.constant 5.000000e+00 : f32
    %broadcast_in_dim3A_95 = vector.broadcast %jit3A_94 : f32 to vector<256x128xf32>
    %select_n3A_96 = arith.select %lt3A_92, %broadcast_in_dim3A_95, %select_n3A_79 : vector<256x128xi1>, vector<256x128xf32>
    %get3A_97 = arith.constant 768 : index
    %get3A_98 = arith.constant 0 : index
    %get3A_99 = vector.load %arg3[%get3A_97, %get3A_98] : memref<8192x32xf32, #tpu.memory_space<vmem>>, vector<128x32xf32>
    %dot_general3A_100 = arith.constant dense<0.000000e+00> : vector<256x128xf32>
    %dot_general3A_101 = tpu.matmul %add3A, %get3A_99, %dot_general3A_100 {dimension_numbers = #tpu.dot_dimension_numbers<[1], [1], [0], [0], [0, 0, 1, 0], [], []>, transpose_lhs_hint = false} : vector<256x32xf32>, vector<128x32xf32>, vector<256x128xf32> -> vector<256x128xf32>
    %get3A_102 = arith.constant 0 : index
    %get3A_103 = arith.constant 768 : index
    %get3A_104 = vector.load %arg2[%get3A_102, %get3A_103] : memref<1x8192xf32, #tpu.memory_space<vmem>>, vector<1x128xf32>
    %add3A_105 = vector.broadcast %broadcast_in_dim3A : vector<256x1xf32> to vector<256x128xf32>
    %add3A_106 = vector.broadcast %get3A_104 : vector<1x128xf32> to vector<256x128xf32>
    %add3A_107 = arith.addf %add3A_105, %add3A_106 : vector<256x128xf32>
    %sub3A_108 = arith.subf %add3A_107, %dot_general3A_101 : vector<256x128xf32>
    %lt3A_109 = arith.cmpf olt, %sub3A_108, %select_n3A_93 : vector<256x128xf32>
    %select_n3A_110 = arith.select %lt3A_109, %sub3A_108, %select_n3A_93 : vector<256x128xi1>, vector<256x128xf32>
    %jit3A_111 = arith.constant 6.000000e+00 : f32
    %broadcast_in_dim3A_112 = vector.broadcast %jit3A_111 : f32 to vector<256x128xf32>
    %select_n3A_113 = arith.select %lt3A_109, %broadcast_in_dim3A_112, %select_n3A_96 : vector<256x128xi1>, vector<256x128xf32>
    %get3A_114 = arith.constant 896 : index
    %get3A_115 = arith.constant 0 : index
    %get3A_116 = vector.load %arg3[%get3A_114, %get3A_115] : memref<8192x32xf32, #tpu.memory_space<vmem>>, vector<128x32xf32>
    %dot_general3A_117 = arith.constant dense<0.000000e+00> : vector<256x128xf32>
    %dot_general3A_118 = tpu.matmul %add3A, %get3A_116, %dot_general3A_117 {dimension_numbers = #tpu.dot_dimension_numbers<[1], [1], [0], [0], [0, 0, 1, 0], [], []>, transpose_lhs_hint = false} : vector<256x32xf32>, vector<128x32xf32>, vector<256x128xf32> -> vector<256x128xf32>
    %get3A_119 = arith.constant 0 : index
    %get3A_120 = arith.constant 896 : index
    %get3A_121 = vector.load %arg2[%get3A_119, %get3A_120] : memref<1x8192xf32, #tpu.memory_space<vmem>>, vector<1x128xf32>
    %add3A_122 = vector.broadcast %broadcast_in_dim3A : vector<256x1xf32> to vector<256x128xf32>
    %add3A_123 = vector.broadcast %get3A_121 : vector<1x128xf32> to vector<256x128xf32>
    %add3A_124 = arith.addf %add3A_122, %add3A_123 : vector<256x128xf32>
    %sub3A_125 = arith.subf %add3A_124, %dot_general3A_118 : vector<256x128xf32>
    %lt3A_126 = arith.cmpf olt, %sub3A_125, %select_n3A_110 : vector<256x128xf32>
    %select_n3A_127 = arith.select %lt3A_126, %sub3A_125, %select_n3A_110 : vector<256x128xi1>, vector<256x128xf32>
    %jit3A_128 = arith.constant 7.000000e+00 : f32
    %broadcast_in_dim3A_129 = vector.broadcast %jit3A_128 : f32 to vector<256x128xf32>
    %select_n3A_130 = arith.select %lt3A_126, %broadcast_in_dim3A_129, %select_n3A_113 : vector<256x128xi1>, vector<256x128xf32>
    %get3A_131 = arith.constant 1024 : index
    %get3A_132 = arith.constant 0 : index
    %get3A_133 = vector.load %arg3[%get3A_131, %get3A_132] : memref<8192x32xf32, #tpu.memory_space<vmem>>, vector<128x32xf32>
    %dot_general3A_134 = arith.constant dense<0.000000e+00> : vector<256x128xf32>
    %dot_general3A_135 = tpu.matmul %add3A, %get3A_133, %dot_general3A_134 {dimension_numbers = #tpu.dot_dimension_numbers<[1], [1], [0], [0], [0, 0, 1, 0], [], []>, transpose_lhs_hint = false} : vector<256x32xf32>, vector<128x32xf32>, vector<256x128xf32> -> vector<256x128xf32>
    %get3A_136 = arith.constant 0 : index
    %get3A_137 = arith.constant 1024 : index
    %get3A_138 = vector.load %arg2[%get3A_136, %get3A_137] : memref<1x8192xf32, #tpu.memory_space<vmem>>, vector<1x128xf32>
    %add3A_139 = vector.broadcast %broadcast_in_dim3A : vector<256x1xf32> to vector<256x128xf32>
    %add3A_140 = vector.broadcast %get3A_138 : vector<1x128xf32> to vector<256x128xf32>
    %add3A_141 = arith.addf %add3A_139, %add3A_140 : vector<256x128xf32>
    %sub3A_142 = arith.subf %add3A_141, %dot_general3A_135 : vector<256x128xf32>
    %lt3A_143 = arith.cmpf olt, %sub3A_142, %select_n3A_127 : vector<256x128xf32>
    %select_n3A_144 = arith.select %lt3A_143, %sub3A_142, %select_n3A_127 : vector<256x128xi1>, vector<256x128xf32>
    %jit3A_145 = arith.constant 8.000000e+00 : f32
    %broadcast_in_dim3A_146 = vector.broadcast %jit3A_145 : f32 to vector<256x128xf32>
    %select_n3A_147 = arith.select %lt3A_143, %broadcast_in_dim3A_146, %select_n3A_130 : vector<256x128xi1>, vector<256x128xf32>
    %get3A_148 = arith.constant 1152 : index
    %get3A_149 = arith.constant 0 : index
    %get3A_150 = vector.load %arg3[%get3A_148, %get3A_149] : memref<8192x32xf32, #tpu.memory_space<vmem>>, vector<128x32xf32>
    %dot_general3A_151 = arith.constant dense<0.000000e+00> : vector<256x128xf32>
    %dot_general3A_152 = tpu.matmul %add3A, %get3A_150, %dot_general3A_151 {dimension_numbers = #tpu.dot_dimension_numbers<[1], [1], [0], [0], [0, 0, 1, 0], [], []>, transpose_lhs_hint = false} : vector<256x32xf32>, vector<128x32xf32>, vector<256x128xf32> -> vector<256x128xf32>
    %get3A_153 = arith.constant 0 : index
    %get3A_154 = arith.constant 1152 : index
    %get3A_155 = vector.load %arg2[%get3A_153, %get3A_154] : memref<1x8192xf32, #tpu.memory_space<vmem>>, vector<1x128xf32>
    %add3A_156 = vector.broadcast %broadcast_in_dim3A : vector<256x1xf32> to vector<256x128xf32>
    %add3A_157 = vector.broadcast %get3A_155 : vector<1x128xf32> to vector<256x128xf32>
    %add3A_158 = arith.addf %add3A_156, %add3A_157 : vector<256x128xf32>
    %sub3A_159 = arith.subf %add3A_158, %dot_general3A_152 : vector<256x128xf32>
    %lt3A_160 = arith.cmpf olt, %sub3A_159, %select_n3A_144 : vector<256x128xf32>
    %select_n3A_161 = arith.select %lt3A_160, %sub3A_159, %select_n3A_144 : vector<256x128xi1>, vector<256x128xf32>
    %jit3A_162 = arith.constant 9.000000e+00 : f32
    %broadcast_in_dim3A_163 = vector.broadcast %jit3A_162 : f32 to vector<256x128xf32>
    %select_n3A_164 = arith.select %lt3A_160, %broadcast_in_dim3A_163, %select_n3A_147 : vector<256x128xi1>, vector<256x128xf32>
    %get3A_165 = arith.constant 1280 : index
    %get3A_166 = arith.constant 0 : index
    %get3A_167 = vector.load %arg3[%get3A_165, %get3A_166] : memref<8192x32xf32, #tpu.memory_space<vmem>>, vector<128x32xf32>
    %dot_general3A_168 = arith.constant dense<0.000000e+00> : vector<256x128xf32>
    %dot_general3A_169 = tpu.matmul %add3A, %get3A_167, %dot_general3A_168 {dimension_numbers = #tpu.dot_dimension_numbers<[1], [1], [0], [0], [0, 0, 1, 0], [], []>, transpose_lhs_hint = false} : vector<256x32xf32>, vector<128x32xf32>, vector<256x128xf32> -> vector<256x128xf32>
    %get3A_170 = arith.constant 0 : index
    %get3A_171 = arith.constant 1280 : index
    %get3A_172 = vector.load %arg2[%get3A_170, %get3A_171] : memref<1x8192xf32, #tpu.memory_space<vmem>>, vector<1x128xf32>
    %add3A_173 = vector.broadcast %broadcast_in_dim3A : vector<256x1xf32> to vector<256x128xf32>
    %add3A_174 = vector.broadcast %get3A_172 : vector<1x128xf32> to vector<256x128xf32>
    %add3A_175 = arith.addf %add3A_173, %add3A_174 : vector<256x128xf32>
    %sub3A_176 = arith.subf %add3A_175, %dot_general3A_169 : vector<256x128xf32>
    %lt3A_177 = arith.cmpf olt, %sub3A_176, %select_n3A_161 : vector<256x128xf32>
    %select_n3A_178 = arith.select %lt3A_177, %sub3A_176, %select_n3A_161 : vector<256x128xi1>, vector<256x128xf32>
    %jit3A_179 = arith.constant 1.000000e+01 : f32
    %broadcast_in_dim3A_180 = vector.broadcast %jit3A_179 : f32 to vector<256x128xf32>
    %select_n3A_181 = arith.select %lt3A_177, %broadcast_in_dim3A_180, %select_n3A_164 : vector<256x128xi1>, vector<256x128xf32>
    %get3A_182 = arith.constant 1408 : index
    %get3A_183 = arith.constant 0 : index
    %get3A_184 = vector.load %arg3[%get3A_182, %get3A_183] : memref<8192x32xf32, #tpu.memory_space<vmem>>, vector<128x32xf32>
    %dot_general3A_185 = arith.constant dense<0.000000e+00> : vector<256x128xf32>
    %dot_general3A_186 = tpu.matmul %add3A, %get3A_184, %dot_general3A_185 {dimension_numbers = #tpu.dot_dimension_numbers<[1], [1], [0], [0], [0, 0, 1, 0], [], []>, transpose_lhs_hint = false} : vector<256x32xf32>, vector<128x32xf32>, vector<256x128xf32> -> vector<256x128xf32>
    %get3A_187 = arith.constant 0 : index
    %get3A_188 = arith.constant 1408 : index
    %get3A_189 = vector.load %arg2[%get3A_187, %get3A_188] : memref<1x8192xf32, #tpu.memory_space<vmem>>, vector<1x128xf32>
    %add3A_190 = vector.broadcast %broadcast_in_dim3A : vector<256x1xf32> to vector<256x128xf32>
    %add3A_191 = vector.broadcast %get3A_189 : vector<1x128xf32> to vector<256x128xf32>
    %add3A_192 = arith.addf %add3A_190, %add3A_191 : vector<256x128xf32>
    %sub3A_193 = arith.subf %add3A_192, %dot_general3A_186 : vector<256x128xf32>
    %lt3A_194 = arith.cmpf olt, %sub3A_193, %select_n3A_178 : vector<256x128xf32>
    %select_n3A_195 = arith.select %lt3A_194, %sub3A_193, %select_n3A_178 : vector<256x128xi1>, vector<256x128xf32>
    %jit3A_196 = arith.constant 1.100000e+01 : f32
    %broadcast_in_dim3A_197 = vector.broadcast %jit3A_196 : f32 to vector<256x128xf32>
    %select_n3A_198 = arith.select %lt3A_194, %broadcast_in_dim3A_197, %select_n3A_181 : vector<256x128xi1>, vector<256x128xf32>
    %get3A_199 = arith.constant 1536 : index
    %get3A_200 = arith.constant 0 : index
    %get3A_201 = vector.load %arg3[%get3A_199, %get3A_200] : memref<8192x32xf32, #tpu.memory_space<vmem>>, vector<128x32xf32>
    %dot_general3A_202 = arith.constant dense<0.000000e+00> : vector<256x128xf32>
    %dot_general3A_203 = tpu.matmul %add3A, %get3A_201, %dot_general3A_202 {dimension_numbers = #tpu.dot_dimension_numbers<[1], [1], [0], [0], [0, 0, 1, 0], [], []>, transpose_lhs_hint = false} : vector<256x32xf32>, vector<128x32xf32>, vector<256x128xf32> -> vector<256x128xf32>
    %get3A_204 = arith.constant 0 : index
    %get3A_205 = arith.constant 1536 : index
    %get3A_206 = vector.load %arg2[%get3A_204, %get3A_205] : memref<1x8192xf32, #tpu.memory_space<vmem>>, vector<1x128xf32>
    %add3A_207 = vector.broadcast %broadcast_in_dim3A : vector<256x1xf32> to vector<256x128xf32>
    %add3A_208 = vector.broadcast %get3A_206 : vector<1x128xf32> to vector<256x128xf32>
    %add3A_209 = arith.addf %add3A_207, %add3A_208 : vector<256x128xf32>
    %sub3A_210 = arith.subf %add3A_209, %dot_general3A_203 : vector<256x128xf32>
    %lt3A_211 = arith.cmpf olt, %sub3A_210, %select_n3A_195 : vector<256x128xf32>
    %select_n3A_212 = arith.select %lt3A_211, %sub3A_210, %select_n3A_195 : vector<256x128xi1>, vector<256x128xf32>
    %jit3A_213 = arith.constant 1.200000e+01 : f32
    %broadcast_in_dim3A_214 = vector.broadcast %jit3A_213 : f32 to vector<256x128xf32>
    %select_n3A_215 = arith.select %lt3A_211, %broadcast_in_dim3A_214, %select_n3A_198 : vector<256x128xi1>, vector<256x128xf32>
    %get3A_216 = arith.constant 1664 : index
    %get3A_217 = arith.constant 0 : index
    %get3A_218 = vector.load %arg3[%get3A_216, %get3A_217] : memref<8192x32xf32, #tpu.memory_space<vmem>>, vector<128x32xf32>
    %dot_general3A_219 = arith.constant dense<0.000000e+00> : vector<256x128xf32>
    %dot_general3A_220 = tpu.matmul %add3A, %get3A_218, %dot_general3A_219 {dimension_numbers = #tpu.dot_dimension_numbers<[1], [1], [0], [0], [0, 0, 1, 0], [], []>, transpose_lhs_hint = false} : vector<256x32xf32>, vector<128x32xf32>, vector<256x128xf32> -> vector<256x128xf32>
    %get3A_221 = arith.constant 0 : index
    %get3A_222 = arith.constant 1664 : index
    %get3A_223 = vector.load %arg2[%get3A_221, %get3A_222] : memref<1x8192xf32, #tpu.memory_space<vmem>>, vector<1x128xf32>
    %add3A_224 = vector.broadcast %broadcast_in_dim3A : vector<256x1xf32> to vector<256x128xf32>
    %add3A_225 = vector.broadcast %get3A_223 : vector<1x128xf32> to vector<256x128xf32>
    %add3A_226 = arith.addf %add3A_224, %add3A_225 : vector<256x128xf32>
    %sub3A_227 = arith.subf %add3A_226, %dot_general3A_220 : vector<256x128xf32>
    %lt3A_228 = arith.cmpf olt, %sub3A_227, %select_n3A_212 : vector<256x128xf32>
    %select_n3A_229 = arith.select %lt3A_228, %sub3A_227, %select_n3A_212 : vector<256x128xi1>, vector<256x128xf32>
    %jit3A_230 = arith.constant 1.300000e+01 : f32
    %broadcast_in_dim3A_231 = vector.broadcast %jit3A_230 : f32 to vector<256x128xf32>
    %select_n3A_232 = arith.select %lt3A_228, %broadcast_in_dim3A_231, %select_n3A_215 : vector<256x128xi1>, vector<256x128xf32>
    %get3A_233 = arith.constant 1792 : index
    %get3A_234 = arith.constant 0 : index
    %get3A_235 = vector.load %arg3[%get3A_233, %get3A_234] : memref<8192x32xf32, #tpu.memory_space<vmem>>, vector<128x32xf32>
    %dot_general3A_236 = arith.constant dense<0.000000e+00> : vector<256x128xf32>
    %dot_general3A_237 = tpu.matmul %add3A, %get3A_235, %dot_general3A_236 {dimension_numbers = #tpu.dot_dimension_numbers<[1], [1], [0], [0], [0, 0, 1, 0], [], []>, transpose_lhs_hint = false} : vector<256x32xf32>, vector<128x32xf32>, vector<256x128xf32> -> vector<256x128xf32>
    %get3A_238 = arith.constant 0 : index
    %get3A_239 = arith.constant 1792 : index
    %get3A_240 = vector.load %arg2[%get3A_238, %get3A_239] : memref<1x8192xf32, #tpu.memory_space<vmem>>, vector<1x128xf32>
    %add3A_241 = vector.broadcast %broadcast_in_dim3A : vector<256x1xf32> to vector<256x128xf32>
    %add3A_242 = vector.broadcast %get3A_240 : vector<1x128xf32> to vector<256x128xf32>
    %add3A_243 = arith.addf %add3A_241, %add3A_242 : vector<256x128xf32>
    %sub3A_244 = arith.subf %add3A_243, %dot_general3A_237 : vector<256x128xf32>
    %lt3A_245 = arith.cmpf olt, %sub3A_244, %select_n3A_229 : vector<256x128xf32>
    %select_n3A_246 = arith.select %lt3A_245, %sub3A_244, %select_n3A_229 : vector<256x128xi1>, vector<256x128xf32>
    %jit3A_247 = arith.constant 1.400000e+01 : f32
    %broadcast_in_dim3A_248 = vector.broadcast %jit3A_247 : f32 to vector<256x128xf32>
    %select_n3A_249 = arith.select %lt3A_245, %broadcast_in_dim3A_248, %select_n3A_232 : vector<256x128xi1>, vector<256x128xf32>
    %get3A_250 = arith.constant 1920 : index
    %get3A_251 = arith.constant 0 : index
    %get3A_252 = vector.load %arg3[%get3A_250, %get3A_251] : memref<8192x32xf32, #tpu.memory_space<vmem>>, vector<128x32xf32>
    %dot_general3A_253 = arith.constant dense<0.000000e+00> : vector<256x128xf32>
    %dot_general3A_254 = tpu.matmul %add3A, %get3A_252, %dot_general3A_253 {dimension_numbers = #tpu.dot_dimension_numbers<[1], [1], [0], [0], [0, 0, 1, 0], [], []>, transpose_lhs_hint = false} : vector<256x32xf32>, vector<128x32xf32>, vector<256x128xf32> -> vector<256x128xf32>
    %get3A_255 = arith.constant 0 : index
    %get3A_256 = arith.constant 1920 : index
    %get3A_257 = vector.load %arg2[%get3A_255, %get3A_256] : memref<1x8192xf32, #tpu.memory_space<vmem>>, vector<1x128xf32>
    %add3A_258 = vector.broadcast %broadcast_in_dim3A : vector<256x1xf32> to vector<256x128xf32>
    %add3A_259 = vector.broadcast %get3A_257 : vector<1x128xf32> to vector<256x128xf32>
    %add3A_260 = arith.addf %add3A_258, %add3A_259 : vector<256x128xf32>
    %sub3A_261 = arith.subf %add3A_260, %dot_general3A_254 : vector<256x128xf32>
    %lt3A_262 = arith.cmpf olt, %sub3A_261, %select_n3A_246 : vector<256x128xf32>
    %select_n3A_263 = arith.select %lt3A_262, %sub3A_261, %select_n3A_246 : vector<256x128xi1>, vector<256x128xf32>
    %jit3A_264 = arith.constant 1.500000e+01 : f32
    %broadcast_in_dim3A_265 = vector.broadcast %jit3A_264 : f32 to vector<256x128xf32>
    %select_n3A_266 = arith.select %lt3A_262, %broadcast_in_dim3A_265, %select_n3A_249 : vector<256x128xi1>, vector<256x128xf32>
    %get3A_267 = arith.constant 2048 : index
    %get3A_268 = arith.constant 0 : index
    %get3A_269 = vector.load %arg3[%get3A_267, %get3A_268] : memref<8192x32xf32, #tpu.memory_space<vmem>>, vector<128x32xf32>
    %dot_general3A_270 = arith.constant dense<0.000000e+00> : vector<256x128xf32>
    %dot_general3A_271 = tpu.matmul %add3A, %get3A_269, %dot_general3A_270 {dimension_numbers = #tpu.dot_dimension_numbers<[1], [1], [0], [0], [0, 0, 1, 0], [], []>, transpose_lhs_hint = false} : vector<256x32xf32>, vector<128x32xf32>, vector<256x128xf32> -> vector<256x128xf32>
    %get3A_272 = arith.constant 0 : index
    %get3A_273 = arith.constant 2048 : index
    %get3A_274 = vector.load %arg2[%get3A_272, %get3A_273] : memref<1x8192xf32, #tpu.memory_space<vmem>>, vector<1x128xf32>
    %add3A_275 = vector.broadcast %broadcast_in_dim3A : vector<256x1xf32> to vector<256x128xf32>
    %add3A_276 = vector.broadcast %get3A_274 : vector<1x128xf32> to vector<256x128xf32>
    %add3A_277 = arith.addf %add3A_275, %add3A_276 : vector<256x128xf32>
    %sub3A_278 = arith.subf %add3A_277, %dot_general3A_271 : vector<256x128xf32>
    %lt3A_279 = arith.cmpf olt, %sub3A_278, %select_n3A_263 : vector<256x128xf32>
    %select_n3A_280 = arith.select %lt3A_279, %sub3A_278, %select_n3A_263 : vector<256x128xi1>, vector<256x128xf32>
    %jit3A_281 = arith.constant 1.600000e+01 : f32
    %broadcast_in_dim3A_282 = vector.broadcast %jit3A_281 : f32 to vector<256x128xf32>
    %select_n3A_283 = arith.select %lt3A_279, %broadcast_in_dim3A_282, %select_n3A_266 : vector<256x128xi1>, vector<256x128xf32>
    %get3A_284 = arith.constant 2176 : index
    %get3A_285 = arith.constant 0 : index
    %get3A_286 = vector.load %arg3[%get3A_284, %get3A_285] : memref<8192x32xf32, #tpu.memory_space<vmem>>, vector<128x32xf32>
    %dot_general3A_287 = arith.constant dense<0.000000e+00> : vector<256x128xf32>
    %dot_general3A_288 = tpu.matmul %add3A, %get3A_286, %dot_general3A_287 {dimension_numbers = #tpu.dot_dimension_numbers<[1], [1], [0], [0], [0, 0, 1, 0], [], []>, transpose_lhs_hint = false} : vector<256x32xf32>, vector<128x32xf32>, vector<256x128xf32> -> vector<256x128xf32>
    %get3A_289 = arith.constant 0 : index
    %get3A_290 = arith.constant 2176 : index
    %get3A_291 = vector.load %arg2[%get3A_289, %get3A_290] : memref<1x8192xf32, #tpu.memory_space<vmem>>, vector<1x128xf32>
    %add3A_292 = vector.broadcast %broadcast_in_dim3A : vector<256x1xf32> to vector<256x128xf32>
    %add3A_293 = vector.broadcast %get3A_291 : vector<1x128xf32> to vector<256x128xf32>
    %add3A_294 = arith.addf %add3A_292, %add3A_293 : vector<256x128xf32>
    %sub3A_295 = arith.subf %add3A_294, %dot_general3A_288 : vector<256x128xf32>
    %lt3A_296 = arith.cmpf olt, %sub3A_295, %select_n3A_280 : vector<256x128xf32>
    %select_n3A_297 = arith.select %lt3A_296, %sub3A_295, %select_n3A_280 : vector<256x128xi1>, vector<256x128xf32>
    %jit3A_298 = arith.constant 1.700000e+01 : f32
    %broadcast_in_dim3A_299 = vector.broadcast %jit3A_298 : f32 to vector<256x128xf32>
    %select_n3A_300 = arith.select %lt3A_296, %broadcast_in_dim3A_299, %select_n3A_283 : vector<256x128xi1>, vector<256x128xf32>
    %get3A_301 = arith.constant 2304 : index
    %get3A_302 = arith.constant 0 : index
    %get3A_303 = vector.load %arg3[%get3A_301, %get3A_302] : memref<8192x32xf32, #tpu.memory_space<vmem>>, vector<128x32xf32>
    %dot_general3A_304 = arith.constant dense<0.000000e+00> : vector<256x128xf32>
    %dot_general3A_305 = tpu.matmul %add3A, %get3A_303, %dot_general3A_304 {dimension_numbers = #tpu.dot_dimension_numbers<[1], [1], [0], [0], [0, 0, 1, 0], [], []>, transpose_lhs_hint = false} : vector<256x32xf32>, vector<128x32xf32>, vector<256x128xf32> -> vector<256x128xf32>
    %get3A_306 = arith.constant 0 : index
    %get3A_307 = arith.constant 2304 : index
    %get3A_308 = vector.load %arg2[%get3A_306, %get3A_307] : memref<1x8192xf32, #tpu.memory_space<vmem>>, vector<1x128xf32>
    %add3A_309 = vector.broadcast %broadcast_in_dim3A : vector<256x1xf32> to vector<256x128xf32>
    %add3A_310 = vector.broadcast %get3A_308 : vector<1x128xf32> to vector<256x128xf32>
    %add3A_311 = arith.addf %add3A_309, %add3A_310 : vector<256x128xf32>
    %sub3A_312 = arith.subf %add3A_311, %dot_general3A_305 : vector<256x128xf32>
    %lt3A_313 = arith.cmpf olt, %sub3A_312, %select_n3A_297 : vector<256x128xf32>
    %select_n3A_314 = arith.select %lt3A_313, %sub3A_312, %select_n3A_297 : vector<256x128xi1>, vector<256x128xf32>
    %jit3A_315 = arith.constant 1.800000e+01 : f32
    %broadcast_in_dim3A_316 = vector.broadcast %jit3A_315 : f32 to vector<256x128xf32>
    %select_n3A_317 = arith.select %lt3A_313, %broadcast_in_dim3A_316, %select_n3A_300 : vector<256x128xi1>, vector<256x128xf32>
    %get3A_318 = arith.constant 2432 : index
    %get3A_319 = arith.constant 0 : index
    %get3A_320 = vector.load %arg3[%get3A_318, %get3A_319] : memref<8192x32xf32, #tpu.memory_space<vmem>>, vector<128x32xf32>
    %dot_general3A_321 = arith.constant dense<0.000000e+00> : vector<256x128xf32>
    %dot_general3A_322 = tpu.matmul %add3A, %get3A_320, %dot_general3A_321 {dimension_numbers = #tpu.dot_dimension_numbers<[1], [1], [0], [0], [0, 0, 1, 0], [], []>, transpose_lhs_hint = false} : vector<256x32xf32>, vector<128x32xf32>, vector<256x128xf32> -> vector<256x128xf32>
    %get3A_323 = arith.constant 0 : index
    %get3A_324 = arith.constant 2432 : index
    %get3A_325 = vector.load %arg2[%get3A_323, %get3A_324] : memref<1x8192xf32, #tpu.memory_space<vmem>>, vector<1x128xf32>
    %add3A_326 = vector.broadcast %broadcast_in_dim3A : vector<256x1xf32> to vector<256x128xf32>
    %add3A_327 = vector.broadcast %get3A_325 : vector<1x128xf32> to vector<256x128xf32>
    %add3A_328 = arith.addf %add3A_326, %add3A_327 : vector<256x128xf32>
    %sub3A_329 = arith.subf %add3A_328, %dot_general3A_322 : vector<256x128xf32>
    %lt3A_330 = arith.cmpf olt, %sub3A_329, %select_n3A_314 : vector<256x128xf32>
    %select_n3A_331 = arith.select %lt3A_330, %sub3A_329, %select_n3A_314 : vector<256x128xi1>, vector<256x128xf32>
    %jit3A_332 = arith.constant 1.900000e+01 : f32
    %broadcast_in_dim3A_333 = vector.broadcast %jit3A_332 : f32 to vector<256x128xf32>
    %select_n3A_334 = arith.select %lt3A_330, %broadcast_in_dim3A_333, %select_n3A_317 : vector<256x128xi1>, vector<256x128xf32>
    %get3A_335 = arith.constant 2560 : index
    %get3A_336 = arith.constant 0 : index
    %get3A_337 = vector.load %arg3[%get3A_335, %get3A_336] : memref<8192x32xf32, #tpu.memory_space<vmem>>, vector<128x32xf32>
    %dot_general3A_338 = arith.constant dense<0.000000e+00> : vector<256x128xf32>
    %dot_general3A_339 = tpu.matmul %add3A, %get3A_337, %dot_general3A_338 {dimension_numbers = #tpu.dot_dimension_numbers<[1], [1], [0], [0], [0, 0, 1, 0], [], []>, transpose_lhs_hint = false} : vector<256x32xf32>, vector<128x32xf32>, vector<256x128xf32> -> vector<256x128xf32>
    %get3A_340 = arith.constant 0 : index
    %get3A_341 = arith.constant 2560 : index
    %get3A_342 = vector.load %arg2[%get3A_340, %get3A_341] : memref<1x8192xf32, #tpu.memory_space<vmem>>, vector<1x128xf32>
    %add3A_343 = vector.broadcast %broadcast_in_dim3A : vector<256x1xf32> to vector<256x128xf32>
    %add3A_344 = vector.broadcast %get3A_342 : vector<1x128xf32> to vector<256x128xf32>
    %add3A_345 = arith.addf %add3A_343, %add3A_344 : vector<256x128xf32>
    %sub3A_346 = arith.subf %add3A_345, %dot_general3A_339 : vector<256x128xf32>
    %lt3A_347 = arith.cmpf olt, %sub3A_346, %select_n3A_331 : vector<256x128xf32>
    %select_n3A_348 = arith.select %lt3A_347, %sub3A_346, %select_n3A_331 : vector<256x128xi1>, vector<256x128xf32>
    %jit3A_349 = arith.constant 2.000000e+01 : f32
    %broadcast_in_dim3A_350 = vector.broadcast %jit3A_349 : f32 to vector<256x128xf32>
    %select_n3A_351 = arith.select %lt3A_347, %broadcast_in_dim3A_350, %select_n3A_334 : vector<256x128xi1>, vector<256x128xf32>
    %get3A_352 = arith.constant 2688 : index
    %get3A_353 = arith.constant 0 : index
    %get3A_354 = vector.load %arg3[%get3A_352, %get3A_353] : memref<8192x32xf32, #tpu.memory_space<vmem>>, vector<128x32xf32>
    %dot_general3A_355 = arith.constant dense<0.000000e+00> : vector<256x128xf32>
    %dot_general3A_356 = tpu.matmul %add3A, %get3A_354, %dot_general3A_355 {dimension_numbers = #tpu.dot_dimension_numbers<[1], [1], [0], [0], [0, 0, 1, 0], [], []>, transpose_lhs_hint = false} : vector<256x32xf32>, vector<128x32xf32>, vector<256x128xf32> -> vector<256x128xf32>
    %get3A_357 = arith.constant 0 : index
    %get3A_358 = arith.constant 2688 : index
    %get3A_359 = vector.load %arg2[%get3A_357, %get3A_358] : memref<1x8192xf32, #tpu.memory_space<vmem>>, vector<1x128xf32>
    %add3A_360 = vector.broadcast %broadcast_in_dim3A : vector<256x1xf32> to vector<256x128xf32>
    %add3A_361 = vector.broadcast %get3A_359 : vector<1x128xf32> to vector<256x128xf32>
    %add3A_362 = arith.addf %add3A_360, %add3A_361 : vector<256x128xf32>
    %sub3A_363 = arith.subf %add3A_362, %dot_general3A_356 : vector<256x128xf32>
    %lt3A_364 = arith.cmpf olt, %sub3A_363, %select_n3A_348 : vector<256x128xf32>
    %select_n3A_365 = arith.select %lt3A_364, %sub3A_363, %select_n3A_348 : vector<256x128xi1>, vector<256x128xf32>
    %jit3A_366 = arith.constant 2.100000e+01 : f32
    %broadcast_in_dim3A_367 = vector.broadcast %jit3A_366 : f32 to vector<256x128xf32>
    %select_n3A_368 = arith.select %lt3A_364, %broadcast_in_dim3A_367, %select_n3A_351 : vector<256x128xi1>, vector<256x128xf32>
    %get3A_369 = arith.constant 2816 : index
    %get3A_370 = arith.constant 0 : index
    %get3A_371 = vector.load %arg3[%get3A_369, %get3A_370] : memref<8192x32xf32, #tpu.memory_space<vmem>>, vector<128x32xf32>
    %dot_general3A_372 = arith.constant dense<0.000000e+00> : vector<256x128xf32>
    %dot_general3A_373 = tpu.matmul %add3A, %get3A_371, %dot_general3A_372 {dimension_numbers = #tpu.dot_dimension_numbers<[1], [1], [0], [0], [0, 0, 1, 0], [], []>, transpose_lhs_hint = false} : vector<256x32xf32>, vector<128x32xf32>, vector<256x128xf32> -> vector<256x128xf32>
    %get3A_374 = arith.constant 0 : index
    %get3A_375 = arith.constant 2816 : index
    %get3A_376 = vector.load %arg2[%get3A_374, %get3A_375] : memref<1x8192xf32, #tpu.memory_space<vmem>>, vector<1x128xf32>
    %add3A_377 = vector.broadcast %broadcast_in_dim3A : vector<256x1xf32> to vector<256x128xf32>
    %add3A_378 = vector.broadcast %get3A_376 : vector<1x128xf32> to vector<256x128xf32>
    %add3A_379 = arith.addf %add3A_377, %add3A_378 : vector<256x128xf32>
    %sub3A_380 = arith.subf %add3A_379, %dot_general3A_373 : vector<256x128xf32>
    %lt3A_381 = arith.cmpf olt, %sub3A_380, %select_n3A_365 : vector<256x128xf32>
    %select_n3A_382 = arith.select %lt3A_381, %sub3A_380, %select_n3A_365 : vector<256x128xi1>, vector<256x128xf32>
    %jit3A_383 = arith.constant 2.200000e+01 : f32
    %broadcast_in_dim3A_384 = vector.broadcast %jit3A_383 : f32 to vector<256x128xf32>
    %select_n3A_385 = arith.select %lt3A_381, %broadcast_in_dim3A_384, %select_n3A_368 : vector<256x128xi1>, vector<256x128xf32>
    %get3A_386 = arith.constant 2944 : index
    %get3A_387 = arith.constant 0 : index
    %get3A_388 = vector.load %arg3[%get3A_386, %get3A_387] : memref<8192x32xf32, #tpu.memory_space<vmem>>, vector<128x32xf32>
    %dot_general3A_389 = arith.constant dense<0.000000e+00> : vector<256x128xf32>
    %dot_general3A_390 = tpu.matmul %add3A, %get3A_388, %dot_general3A_389 {dimension_numbers = #tpu.dot_dimension_numbers<[1], [1], [0], [0], [0, 0, 1, 0], [], []>, transpose_lhs_hint = false} : vector<256x32xf32>, vector<128x32xf32>, vector<256x128xf32> -> vector<256x128xf32>
    %get3A_391 = arith.constant 0 : index
    %get3A_392 = arith.constant 2944 : index
    %get3A_393 = vector.load %arg2[%get3A_391, %get3A_392] : memref<1x8192xf32, #tpu.memory_space<vmem>>, vector<1x128xf32>
    %add3A_394 = vector.broadcast %broadcast_in_dim3A : vector<256x1xf32> to vector<256x128xf32>
    %add3A_395 = vector.broadcast %get3A_393 : vector<1x128xf32> to vector<256x128xf32>
    %add3A_396 = arith.addf %add3A_394, %add3A_395 : vector<256x128xf32>
    %sub3A_397 = arith.subf %add3A_396, %dot_general3A_390 : vector<256x128xf32>
    %lt3A_398 = arith.cmpf olt, %sub3A_397, %select_n3A_382 : vector<256x128xf32>
    %select_n3A_399 = arith.select %lt3A_398, %sub3A_397, %select_n3A_382 : vector<256x128xi1>, vector<256x128xf32>
    %jit3A_400 = arith.constant 2.300000e+01 : f32
    %broadcast_in_dim3A_401 = vector.broadcast %jit3A_400 : f32 to vector<256x128xf32>
    %select_n3A_402 = arith.select %lt3A_398, %broadcast_in_dim3A_401, %select_n3A_385 : vector<256x128xi1>, vector<256x128xf32>
    %get3A_403 = arith.constant 3072 : index
    %get3A_404 = arith.constant 0 : index
    %get3A_405 = vector.load %arg3[%get3A_403, %get3A_404] : memref<8192x32xf32, #tpu.memory_space<vmem>>, vector<128x32xf32>
    %dot_general3A_406 = arith.constant dense<0.000000e+00> : vector<256x128xf32>
    %dot_general3A_407 = tpu.matmul %add3A, %get3A_405, %dot_general3A_406 {dimension_numbers = #tpu.dot_dimension_numbers<[1], [1], [0], [0], [0, 0, 1, 0], [], []>, transpose_lhs_hint = false} : vector<256x32xf32>, vector<128x32xf32>, vector<256x128xf32> -> vector<256x128xf32>
    %get3A_408 = arith.constant 0 : index
    %get3A_409 = arith.constant 3072 : index
    %get3A_410 = vector.load %arg2[%get3A_408, %get3A_409] : memref<1x8192xf32, #tpu.memory_space<vmem>>, vector<1x128xf32>
    %add3A_411 = vector.broadcast %broadcast_in_dim3A : vector<256x1xf32> to vector<256x128xf32>
    %add3A_412 = vector.broadcast %get3A_410 : vector<1x128xf32> to vector<256x128xf32>
    %add3A_413 = arith.addf %add3A_411, %add3A_412 : vector<256x128xf32>
    %sub3A_414 = arith.subf %add3A_413, %dot_general3A_407 : vector<256x128xf32>
    %lt3A_415 = arith.cmpf olt, %sub3A_414, %select_n3A_399 : vector<256x128xf32>
    %select_n3A_416 = arith.select %lt3A_415, %sub3A_414, %select_n3A_399 : vector<256x128xi1>, vector<256x128xf32>
    %jit3A_417 = arith.constant 2.400000e+01 : f32
    %broadcast_in_dim3A_418 = vector.broadcast %jit3A_417 : f32 to vector<256x128xf32>
    %select_n3A_419 = arith.select %lt3A_415, %broadcast_in_dim3A_418, %select_n3A_402 : vector<256x128xi1>, vector<256x128xf32>
    %get3A_420 = arith.constant 3200 : index
    %get3A_421 = arith.constant 0 : index
    %get3A_422 = vector.load %arg3[%get3A_420, %get3A_421] : memref<8192x32xf32, #tpu.memory_space<vmem>>, vector<128x32xf32>
    %dot_general3A_423 = arith.constant dense<0.000000e+00> : vector<256x128xf32>
    %dot_general3A_424 = tpu.matmul %add3A, %get3A_422, %dot_general3A_423 {dimension_numbers = #tpu.dot_dimension_numbers<[1], [1], [0], [0], [0, 0, 1, 0], [], []>, transpose_lhs_hint = false} : vector<256x32xf32>, vector<128x32xf32>, vector<256x128xf32> -> vector<256x128xf32>
    %get3A_425 = arith.constant 0 : index
    %get3A_426 = arith.constant 3200 : index
    %get3A_427 = vector.load %arg2[%get3A_425, %get3A_426] : memref<1x8192xf32, #tpu.memory_space<vmem>>, vector<1x128xf32>
    %add3A_428 = vector.broadcast %broadcast_in_dim3A : vector<256x1xf32> to vector<256x128xf32>
    %add3A_429 = vector.broadcast %get3A_427 : vector<1x128xf32> to vector<256x128xf32>
    %add3A_430 = arith.addf %add3A_428, %add3A_429 : vector<256x128xf32>
    %sub3A_431 = arith.subf %add3A_430, %dot_general3A_424 : vector<256x128xf32>
    %lt3A_432 = arith.cmpf olt, %sub3A_431, %select_n3A_416 : vector<256x128xf32>
    %select_n3A_433 = arith.select %lt3A_432, %sub3A_431, %select_n3A_416 : vector<256x128xi1>, vector<256x128xf32>
    %jit3A_434 = arith.constant 2.500000e+01 : f32
    %broadcast_in_dim3A_435 = vector.broadcast %jit3A_434 : f32 to vector<256x128xf32>
    %select_n3A_436 = arith.select %lt3A_432, %broadcast_in_dim3A_435, %select_n3A_419 : vector<256x128xi1>, vector<256x128xf32>
    %get3A_437 = arith.constant 3328 : index
    %get3A_438 = arith.constant 0 : index
    %get3A_439 = vector.load %arg3[%get3A_437, %get3A_438] : memref<8192x32xf32, #tpu.memory_space<vmem>>, vector<128x32xf32>
    %dot_general3A_440 = arith.constant dense<0.000000e+00> : vector<256x128xf32>
    %dot_general3A_441 = tpu.matmul %add3A, %get3A_439, %dot_general3A_440 {dimension_numbers = #tpu.dot_dimension_numbers<[1], [1], [0], [0], [0, 0, 1, 0], [], []>, transpose_lhs_hint = false} : vector<256x32xf32>, vector<128x32xf32>, vector<256x128xf32> -> vector<256x128xf32>
    %get3A_442 = arith.constant 0 : index
    %get3A_443 = arith.constant 3328 : index
    %get3A_444 = vector.load %arg2[%get3A_442, %get3A_443] : memref<1x8192xf32, #tpu.memory_space<vmem>>, vector<1x128xf32>
    %add3A_445 = vector.broadcast %broadcast_in_dim3A : vector<256x1xf32> to vector<256x128xf32>
    %add3A_446 = vector.broadcast %get3A_444 : vector<1x128xf32> to vector<256x128xf32>
    %add3A_447 = arith.addf %add3A_445, %add3A_446 : vector<256x128xf32>
    %sub3A_448 = arith.subf %add3A_447, %dot_general3A_441 : vector<256x128xf32>
    %lt3A_449 = arith.cmpf olt, %sub3A_448, %select_n3A_433 : vector<256x128xf32>
    %select_n3A_450 = arith.select %lt3A_449, %sub3A_448, %select_n3A_433 : vector<256x128xi1>, vector<256x128xf32>
    %jit3A_451 = arith.constant 2.600000e+01 : f32
    %broadcast_in_dim3A_452 = vector.broadcast %jit3A_451 : f32 to vector<256x128xf32>
    %select_n3A_453 = arith.select %lt3A_449, %broadcast_in_dim3A_452, %select_n3A_436 : vector<256x128xi1>, vector<256x128xf32>
    %get3A_454 = arith.constant 3456 : index
    %get3A_455 = arith.constant 0 : index
    %get3A_456 = vector.load %arg3[%get3A_454, %get3A_455] : memref<8192x32xf32, #tpu.memory_space<vmem>>, vector<128x32xf32>
    %dot_general3A_457 = arith.constant dense<0.000000e+00> : vector<256x128xf32>
    %dot_general3A_458 = tpu.matmul %add3A, %get3A_456, %dot_general3A_457 {dimension_numbers = #tpu.dot_dimension_numbers<[1], [1], [0], [0], [0, 0, 1, 0], [], []>, transpose_lhs_hint = false} : vector<256x32xf32>, vector<128x32xf32>, vector<256x128xf32> -> vector<256x128xf32>
    %get3A_459 = arith.constant 0 : index
    %get3A_460 = arith.constant 3456 : index
    %get3A_461 = vector.load %arg2[%get3A_459, %get3A_460] : memref<1x8192xf32, #tpu.memory_space<vmem>>, vector<1x128xf32>
    %add3A_462 = vector.broadcast %broadcast_in_dim3A : vector<256x1xf32> to vector<256x128xf32>
    %add3A_463 = vector.broadcast %get3A_461 : vector<1x128xf32> to vector<256x128xf32>
    %add3A_464 = arith.addf %add3A_462, %add3A_463 : vector<256x128xf32>
    %sub3A_465 = arith.subf %add3A_464, %dot_general3A_458 : vector<256x128xf32>
    %lt3A_466 = arith.cmpf olt, %sub3A_465, %select_n3A_450 : vector<256x128xf32>
    %select_n3A_467 = arith.select %lt3A_466, %sub3A_465, %select_n3A_450 : vector<256x128xi1>, vector<256x128xf32>
    %jit3A_468 = arith.constant 2.700000e+01 : f32
    %broadcast_in_dim3A_469 = vector.broadcast %jit3A_468 : f32 to vector<256x128xf32>
    %select_n3A_470 = arith.select %lt3A_466, %broadcast_in_dim3A_469, %select_n3A_453 : vector<256x128xi1>, vector<256x128xf32>
    %get3A_471 = arith.constant 3584 : index
    %get3A_472 = arith.constant 0 : index
    %get3A_473 = vector.load %arg3[%get3A_471, %get3A_472] : memref<8192x32xf32, #tpu.memory_space<vmem>>, vector<128x32xf32>
    %dot_general3A_474 = arith.constant dense<0.000000e+00> : vector<256x128xf32>
    %dot_general3A_475 = tpu.matmul %add3A, %get3A_473, %dot_general3A_474 {dimension_numbers = #tpu.dot_dimension_numbers<[1], [1], [0], [0], [0, 0, 1, 0], [], []>, transpose_lhs_hint = false} : vector<256x32xf32>, vector<128x32xf32>, vector<256x128xf32> -> vector<256x128xf32>
    %get3A_476 = arith.constant 0 : index
    %get3A_477 = arith.constant 3584 : index
    %get3A_478 = vector.load %arg2[%get3A_476, %get3A_477] : memref<1x8192xf32, #tpu.memory_space<vmem>>, vector<1x128xf32>
    %add3A_479 = vector.broadcast %broadcast_in_dim3A : vector<256x1xf32> to vector<256x128xf32>
    %add3A_480 = vector.broadcast %get3A_478 : vector<1x128xf32> to vector<256x128xf32>
    %add3A_481 = arith.addf %add3A_479, %add3A_480 : vector<256x128xf32>
    %sub3A_482 = arith.subf %add3A_481, %dot_general3A_475 : vector<256x128xf32>
    %lt3A_483 = arith.cmpf olt, %sub3A_482, %select_n3A_467 : vector<256x128xf32>
    %select_n3A_484 = arith.select %lt3A_483, %sub3A_482, %select_n3A_467 : vector<256x128xi1>, vector<256x128xf32>
    %jit3A_485 = arith.constant 2.800000e+01 : f32
    %broadcast_in_dim3A_486 = vector.broadcast %jit3A_485 : f32 to vector<256x128xf32>
    %select_n3A_487 = arith.select %lt3A_483, %broadcast_in_dim3A_486, %select_n3A_470 : vector<256x128xi1>, vector<256x128xf32>
    %get3A_488 = arith.constant 3712 : index
    %get3A_489 = arith.constant 0 : index
    %get3A_490 = vector.load %arg3[%get3A_488, %get3A_489] : memref<8192x32xf32, #tpu.memory_space<vmem>>, vector<128x32xf32>
    %dot_general3A_491 = arith.constant dense<0.000000e+00> : vector<256x128xf32>
    %dot_general3A_492 = tpu.matmul %add3A, %get3A_490, %dot_general3A_491 {dimension_numbers = #tpu.dot_dimension_numbers<[1], [1], [0], [0], [0, 0, 1, 0], [], []>, transpose_lhs_hint = false} : vector<256x32xf32>, vector<128x32xf32>, vector<256x128xf32> -> vector<256x128xf32>
    %get3A_493 = arith.constant 0 : index
    %get3A_494 = arith.constant 3712 : index
    %get3A_495 = vector.load %arg2[%get3A_493, %get3A_494] : memref<1x8192xf32, #tpu.memory_space<vmem>>, vector<1x128xf32>
    %add3A_496 = vector.broadcast %broadcast_in_dim3A : vector<256x1xf32> to vector<256x128xf32>
    %add3A_497 = vector.broadcast %get3A_495 : vector<1x128xf32> to vector<256x128xf32>
    %add3A_498 = arith.addf %add3A_496, %add3A_497 : vector<256x128xf32>
    %sub3A_499 = arith.subf %add3A_498, %dot_general3A_492 : vector<256x128xf32>
    %lt3A_500 = arith.cmpf olt, %sub3A_499, %select_n3A_484 : vector<256x128xf32>
    %select_n3A_501 = arith.select %lt3A_500, %sub3A_499, %select_n3A_484 : vector<256x128xi1>, vector<256x128xf32>
    %jit3A_502 = arith.constant 2.900000e+01 : f32
    %broadcast_in_dim3A_503 = vector.broadcast %jit3A_502 : f32 to vector<256x128xf32>
    %select_n3A_504 = arith.select %lt3A_500, %broadcast_in_dim3A_503, %select_n3A_487 : vector<256x128xi1>, vector<256x128xf32>
    %get3A_505 = arith.constant 3840 : index
    %get3A_506 = arith.constant 0 : index
    %get3A_507 = vector.load %arg3[%get3A_505, %get3A_506] : memref<8192x32xf32, #tpu.memory_space<vmem>>, vector<128x32xf32>
    %dot_general3A_508 = arith.constant dense<0.000000e+00> : vector<256x128xf32>
    %dot_general3A_509 = tpu.matmul %add3A, %get3A_507, %dot_general3A_508 {dimension_numbers = #tpu.dot_dimension_numbers<[1], [1], [0], [0], [0, 0, 1, 0], [], []>, transpose_lhs_hint = false} : vector<256x32xf32>, vector<128x32xf32>, vector<256x128xf32> -> vector<256x128xf32>
    %get3A_510 = arith.constant 0 : index
    %get3A_511 = arith.constant 3840 : index
    %get3A_512 = vector.load %arg2[%get3A_510, %get3A_511] : memref<1x8192xf32, #tpu.memory_space<vmem>>, vector<1x128xf32>
    %add3A_513 = vector.broadcast %broadcast_in_dim3A : vector<256x1xf32> to vector<256x128xf32>
    %add3A_514 = vector.broadcast %get3A_512 : vector<1x128xf32> to vector<256x128xf32>
    %add3A_515 = arith.addf %add3A_513, %add3A_514 : vector<256x128xf32>
    %sub3A_516 = arith.subf %add3A_515, %dot_general3A_509 : vector<256x128xf32>
    %lt3A_517 = arith.cmpf olt, %sub3A_516, %select_n3A_501 : vector<256x128xf32>
    %select_n3A_518 = arith.select %lt3A_517, %sub3A_516, %select_n3A_501 : vector<256x128xi1>, vector<256x128xf32>
    %jit3A_519 = arith.constant 3.000000e+01 : f32
    %broadcast_in_dim3A_520 = vector.broadcast %jit3A_519 : f32 to vector<256x128xf32>
    %select_n3A_521 = arith.select %lt3A_517, %broadcast_in_dim3A_520, %select_n3A_504 : vector<256x128xi1>, vector<256x128xf32>
    %get3A_522 = arith.constant 3968 : index
    %get3A_523 = arith.constant 0 : index
    %get3A_524 = vector.load %arg3[%get3A_522, %get3A_523] : memref<8192x32xf32, #tpu.memory_space<vmem>>, vector<128x32xf32>
    %dot_general3A_525 = arith.constant dense<0.000000e+00> : vector<256x128xf32>
    %dot_general3A_526 = tpu.matmul %add3A, %get3A_524, %dot_general3A_525 {dimension_numbers = #tpu.dot_dimension_numbers<[1], [1], [0], [0], [0, 0, 1, 0], [], []>, transpose_lhs_hint = false} : vector<256x32xf32>, vector<128x32xf32>, vector<256x128xf32> -> vector<256x128xf32>
    %get3A_527 = arith.constant 0 : index
    %get3A_528 = arith.constant 3968 : index
    %get3A_529 = vector.load %arg2[%get3A_527, %get3A_528] : memref<1x8192xf32, #tpu.memory_space<vmem>>, vector<1x128xf32>
    %add3A_530 = vector.broadcast %broadcast_in_dim3A : vector<256x1xf32> to vector<256x128xf32>
    %add3A_531 = vector.broadcast %get3A_529 : vector<1x128xf32> to vector<256x128xf32>
    %add3A_532 = arith.addf %add3A_530, %add3A_531 : vector<256x128xf32>
    %sub3A_533 = arith.subf %add3A_532, %dot_general3A_526 : vector<256x128xf32>
    %lt3A_534 = arith.cmpf olt, %sub3A_533, %select_n3A_518 : vector<256x128xf32>
    %select_n3A_535 = arith.select %lt3A_534, %sub3A_533, %select_n3A_518 : vector<256x128xi1>, vector<256x128xf32>
    %jit3A_536 = arith.constant 3.100000e+01 : f32
    %broadcast_in_dim3A_537 = vector.broadcast %jit3A_536 : f32 to vector<256x128xf32>
    %select_n3A_538 = arith.select %lt3A_534, %broadcast_in_dim3A_537, %select_n3A_521 : vector<256x128xi1>, vector<256x128xf32>
    %get3A_539 = arith.constant 4096 : index
    %get3A_540 = arith.constant 0 : index
    %get3A_541 = vector.load %arg3[%get3A_539, %get3A_540] : memref<8192x32xf32, #tpu.memory_space<vmem>>, vector<128x32xf32>
    %dot_general3A_542 = arith.constant dense<0.000000e+00> : vector<256x128xf32>
    %dot_general3A_543 = tpu.matmul %add3A, %get3A_541, %dot_general3A_542 {dimension_numbers = #tpu.dot_dimension_numbers<[1], [1], [0], [0], [0, 0, 1, 0], [], []>, transpose_lhs_hint = false} : vector<256x32xf32>, vector<128x32xf32>, vector<256x128xf32> -> vector<256x128xf32>
    %get3A_544 = arith.constant 0 : index
    %get3A_545 = arith.constant 4096 : index
    %get3A_546 = vector.load %arg2[%get3A_544, %get3A_545] : memref<1x8192xf32, #tpu.memory_space<vmem>>, vector<1x128xf32>
    %add3A_547 = vector.broadcast %broadcast_in_dim3A : vector<256x1xf32> to vector<256x128xf32>
    %add3A_548 = vector.broadcast %get3A_546 : vector<1x128xf32> to vector<256x128xf32>
    %add3A_549 = arith.addf %add3A_547, %add3A_548 : vector<256x128xf32>
    %sub3A_550 = arith.subf %add3A_549, %dot_general3A_543 : vector<256x128xf32>
    %lt3A_551 = arith.cmpf olt, %sub3A_550, %select_n3A_535 : vector<256x128xf32>
    %select_n3A_552 = arith.select %lt3A_551, %sub3A_550, %select_n3A_535 : vector<256x128xi1>, vector<256x128xf32>
    %jit3A_553 = arith.constant 3.200000e+01 : f32
    %broadcast_in_dim3A_554 = vector.broadcast %jit3A_553 : f32 to vector<256x128xf32>
    %select_n3A_555 = arith.select %lt3A_551, %broadcast_in_dim3A_554, %select_n3A_538 : vector<256x128xi1>, vector<256x128xf32>
    %get3A_556 = arith.constant 4224 : index
    %get3A_557 = arith.constant 0 : index
    %get3A_558 = vector.load %arg3[%get3A_556, %get3A_557] : memref<8192x32xf32, #tpu.memory_space<vmem>>, vector<128x32xf32>
    %dot_general3A_559 = arith.constant dense<0.000000e+00> : vector<256x128xf32>
    %dot_general3A_560 = tpu.matmul %add3A, %get3A_558, %dot_general3A_559 {dimension_numbers = #tpu.dot_dimension_numbers<[1], [1], [0], [0], [0, 0, 1, 0], [], []>, transpose_lhs_hint = false} : vector<256x32xf32>, vector<128x32xf32>, vector<256x128xf32> -> vector<256x128xf32>
    %get3A_561 = arith.constant 0 : index
    %get3A_562 = arith.constant 4224 : index
    %get3A_563 = vector.load %arg2[%get3A_561, %get3A_562] : memref<1x8192xf32, #tpu.memory_space<vmem>>, vector<1x128xf32>
    %add3A_564 = vector.broadcast %broadcast_in_dim3A : vector<256x1xf32> to vector<256x128xf32>
    %add3A_565 = vector.broadcast %get3A_563 : vector<1x128xf32> to vector<256x128xf32>
    %add3A_566 = arith.addf %add3A_564, %add3A_565 : vector<256x128xf32>
    %sub3A_567 = arith.subf %add3A_566, %dot_general3A_560 : vector<256x128xf32>
    %lt3A_568 = arith.cmpf olt, %sub3A_567, %select_n3A_552 : vector<256x128xf32>
    %select_n3A_569 = arith.select %lt3A_568, %sub3A_567, %select_n3A_552 : vector<256x128xi1>, vector<256x128xf32>
    %jit3A_570 = arith.constant 3.300000e+01 : f32
    %broadcast_in_dim3A_571 = vector.broadcast %jit3A_570 : f32 to vector<256x128xf32>
    %select_n3A_572 = arith.select %lt3A_568, %broadcast_in_dim3A_571, %select_n3A_555 : vector<256x128xi1>, vector<256x128xf32>
    %get3A_573 = arith.constant 4352 : index
    %get3A_574 = arith.constant 0 : index
    %get3A_575 = vector.load %arg3[%get3A_573, %get3A_574] : memref<8192x32xf32, #tpu.memory_space<vmem>>, vector<128x32xf32>
    %dot_general3A_576 = arith.constant dense<0.000000e+00> : vector<256x128xf32>
    %dot_general3A_577 = tpu.matmul %add3A, %get3A_575, %dot_general3A_576 {dimension_numbers = #tpu.dot_dimension_numbers<[1], [1], [0], [0], [0, 0, 1, 0], [], []>, transpose_lhs_hint = false} : vector<256x32xf32>, vector<128x32xf32>, vector<256x128xf32> -> vector<256x128xf32>
    %get3A_578 = arith.constant 0 : index
    %get3A_579 = arith.constant 4352 : index
    %get3A_580 = vector.load %arg2[%get3A_578, %get3A_579] : memref<1x8192xf32, #tpu.memory_space<vmem>>, vector<1x128xf32>
    %add3A_581 = vector.broadcast %broadcast_in_dim3A : vector<256x1xf32> to vector<256x128xf32>
    %add3A_582 = vector.broadcast %get3A_580 : vector<1x128xf32> to vector<256x128xf32>
    %add3A_583 = arith.addf %add3A_581, %add3A_582 : vector<256x128xf32>
    %sub3A_584 = arith.subf %add3A_583, %dot_general3A_577 : vector<256x128xf32>
    %lt3A_585 = arith.cmpf olt, %sub3A_584, %select_n3A_569 : vector<256x128xf32>
    %select_n3A_586 = arith.select %lt3A_585, %sub3A_584, %select_n3A_569 : vector<256x128xi1>, vector<256x128xf32>
    %jit3A_587 = arith.constant 3.400000e+01 : f32
    %broadcast_in_dim3A_588 = vector.broadcast %jit3A_587 : f32 to vector<256x128xf32>
    %select_n3A_589 = arith.select %lt3A_585, %broadcast_in_dim3A_588, %select_n3A_572 : vector<256x128xi1>, vector<256x128xf32>
    %get3A_590 = arith.constant 4480 : index
    %get3A_591 = arith.constant 0 : index
    %get3A_592 = vector.load %arg3[%get3A_590, %get3A_591] : memref<8192x32xf32, #tpu.memory_space<vmem>>, vector<128x32xf32>
    %dot_general3A_593 = arith.constant dense<0.000000e+00> : vector<256x128xf32>
    %dot_general3A_594 = tpu.matmul %add3A, %get3A_592, %dot_general3A_593 {dimension_numbers = #tpu.dot_dimension_numbers<[1], [1], [0], [0], [0, 0, 1, 0], [], []>, transpose_lhs_hint = false} : vector<256x32xf32>, vector<128x32xf32>, vector<256x128xf32> -> vector<256x128xf32>
    %get3A_595 = arith.constant 0 : index
    %get3A_596 = arith.constant 4480 : index
    %get3A_597 = vector.load %arg2[%get3A_595, %get3A_596] : memref<1x8192xf32, #tpu.memory_space<vmem>>, vector<1x128xf32>
    %add3A_598 = vector.broadcast %broadcast_in_dim3A : vector<256x1xf32> to vector<256x128xf32>
    %add3A_599 = vector.broadcast %get3A_597 : vector<1x128xf32> to vector<256x128xf32>
    %add3A_600 = arith.addf %add3A_598, %add3A_599 : vector<256x128xf32>
    %sub3A_601 = arith.subf %add3A_600, %dot_general3A_594 : vector<256x128xf32>
    %lt3A_602 = arith.cmpf olt, %sub3A_601, %select_n3A_586 : vector<256x128xf32>
    %select_n3A_603 = arith.select %lt3A_602, %sub3A_601, %select_n3A_586 : vector<256x128xi1>, vector<256x128xf32>
    %jit3A_604 = arith.constant 3.500000e+01 : f32
    %broadcast_in_dim3A_605 = vector.broadcast %jit3A_604 : f32 to vector<256x128xf32>
    %select_n3A_606 = arith.select %lt3A_602, %broadcast_in_dim3A_605, %select_n3A_589 : vector<256x128xi1>, vector<256x128xf32>
    %get3A_607 = arith.constant 4608 : index
    %get3A_608 = arith.constant 0 : index
    %get3A_609 = vector.load %arg3[%get3A_607, %get3A_608] : memref<8192x32xf32, #tpu.memory_space<vmem>>, vector<128x32xf32>
    %dot_general3A_610 = arith.constant dense<0.000000e+00> : vector<256x128xf32>
    %dot_general3A_611 = tpu.matmul %add3A, %get3A_609, %dot_general3A_610 {dimension_numbers = #tpu.dot_dimension_numbers<[1], [1], [0], [0], [0, 0, 1, 0], [], []>, transpose_lhs_hint = false} : vector<256x32xf32>, vector<128x32xf32>, vector<256x128xf32> -> vector<256x128xf32>
    %get3A_612 = arith.constant 0 : index
    %get3A_613 = arith.constant 4608 : index
    %get3A_614 = vector.load %arg2[%get3A_612, %get3A_613] : memref<1x8192xf32, #tpu.memory_space<vmem>>, vector<1x128xf32>
    %add3A_615 = vector.broadcast %broadcast_in_dim3A : vector<256x1xf32> to vector<256x128xf32>
    %add3A_616 = vector.broadcast %get3A_614 : vector<1x128xf32> to vector<256x128xf32>
    %add3A_617 = arith.addf %add3A_615, %add3A_616 : vector<256x128xf32>
    %sub3A_618 = arith.subf %add3A_617, %dot_general3A_611 : vector<256x128xf32>
    %lt3A_619 = arith.cmpf olt, %sub3A_618, %select_n3A_603 : vector<256x128xf32>
    %select_n3A_620 = arith.select %lt3A_619, %sub3A_618, %select_n3A_603 : vector<256x128xi1>, vector<256x128xf32>
    %jit3A_621 = arith.constant 3.600000e+01 : f32
    %broadcast_in_dim3A_622 = vector.broadcast %jit3A_621 : f32 to vector<256x128xf32>
    %select_n3A_623 = arith.select %lt3A_619, %broadcast_in_dim3A_622, %select_n3A_606 : vector<256x128xi1>, vector<256x128xf32>
    %get3A_624 = arith.constant 4736 : index
    %get3A_625 = arith.constant 0 : index
    %get3A_626 = vector.load %arg3[%get3A_624, %get3A_625] : memref<8192x32xf32, #tpu.memory_space<vmem>>, vector<128x32xf32>
    %dot_general3A_627 = arith.constant dense<0.000000e+00> : vector<256x128xf32>
    %dot_general3A_628 = tpu.matmul %add3A, %get3A_626, %dot_general3A_627 {dimension_numbers = #tpu.dot_dimension_numbers<[1], [1], [0], [0], [0, 0, 1, 0], [], []>, transpose_lhs_hint = false} : vector<256x32xf32>, vector<128x32xf32>, vector<256x128xf32> -> vector<256x128xf32>
    %get3A_629 = arith.constant 0 : index
    %get3A_630 = arith.constant 4736 : index
    %get3A_631 = vector.load %arg2[%get3A_629, %get3A_630] : memref<1x8192xf32, #tpu.memory_space<vmem>>, vector<1x128xf32>
    %add3A_632 = vector.broadcast %broadcast_in_dim3A : vector<256x1xf32> to vector<256x128xf32>
    %add3A_633 = vector.broadcast %get3A_631 : vector<1x128xf32> to vector<256x128xf32>
    %add3A_634 = arith.addf %add3A_632, %add3A_633 : vector<256x128xf32>
    %sub3A_635 = arith.subf %add3A_634, %dot_general3A_628 : vector<256x128xf32>
    %lt3A_636 = arith.cmpf olt, %sub3A_635, %select_n3A_620 : vector<256x128xf32>
    %select_n3A_637 = arith.select %lt3A_636, %sub3A_635, %select_n3A_620 : vector<256x128xi1>, vector<256x128xf32>
    %jit3A_638 = arith.constant 3.700000e+01 : f32
    %broadcast_in_dim3A_639 = vector.broadcast %jit3A_638 : f32 to vector<256x128xf32>
    %select_n3A_640 = arith.select %lt3A_636, %broadcast_in_dim3A_639, %select_n3A_623 : vector<256x128xi1>, vector<256x128xf32>
    %get3A_641 = arith.constant 4864 : index
    %get3A_642 = arith.constant 0 : index
    %get3A_643 = vector.load %arg3[%get3A_641, %get3A_642] : memref<8192x32xf32, #tpu.memory_space<vmem>>, vector<128x32xf32>
    %dot_general3A_644 = arith.constant dense<0.000000e+00> : vector<256x128xf32>
    %dot_general3A_645 = tpu.matmul %add3A, %get3A_643, %dot_general3A_644 {dimension_numbers = #tpu.dot_dimension_numbers<[1], [1], [0], [0], [0, 0, 1, 0], [], []>, transpose_lhs_hint = false} : vector<256x32xf32>, vector<128x32xf32>, vector<256x128xf32> -> vector<256x128xf32>
    %get3A_646 = arith.constant 0 : index
    %get3A_647 = arith.constant 4864 : index
    %get3A_648 = vector.load %arg2[%get3A_646, %get3A_647] : memref<1x8192xf32, #tpu.memory_space<vmem>>, vector<1x128xf32>
    %add3A_649 = vector.broadcast %broadcast_in_dim3A : vector<256x1xf32> to vector<256x128xf32>
    %add3A_650 = vector.broadcast %get3A_648 : vector<1x128xf32> to vector<256x128xf32>
    %add3A_651 = arith.addf %add3A_649, %add3A_650 : vector<256x128xf32>
    %sub3A_652 = arith.subf %add3A_651, %dot_general3A_645 : vector<256x128xf32>
    %lt3A_653 = arith.cmpf olt, %sub3A_652, %select_n3A_637 : vector<256x128xf32>
    %select_n3A_654 = arith.select %lt3A_653, %sub3A_652, %select_n3A_637 : vector<256x128xi1>, vector<256x128xf32>
    %jit3A_655 = arith.constant 3.800000e+01 : f32
    %broadcast_in_dim3A_656 = vector.broadcast %jit3A_655 : f32 to vector<256x128xf32>
    %select_n3A_657 = arith.select %lt3A_653, %broadcast_in_dim3A_656, %select_n3A_640 : vector<256x128xi1>, vector<256x128xf32>
    %get3A_658 = arith.constant 4992 : index
    %get3A_659 = arith.constant 0 : index
    %get3A_660 = vector.load %arg3[%get3A_658, %get3A_659] : memref<8192x32xf32, #tpu.memory_space<vmem>>, vector<128x32xf32>
    %dot_general3A_661 = arith.constant dense<0.000000e+00> : vector<256x128xf32>
    %dot_general3A_662 = tpu.matmul %add3A, %get3A_660, %dot_general3A_661 {dimension_numbers = #tpu.dot_dimension_numbers<[1], [1], [0], [0], [0, 0, 1, 0], [], []>, transpose_lhs_hint = false} : vector<256x32xf32>, vector<128x32xf32>, vector<256x128xf32> -> vector<256x128xf32>
    %get3A_663 = arith.constant 0 : index
    %get3A_664 = arith.constant 4992 : index
    %get3A_665 = vector.load %arg2[%get3A_663, %get3A_664] : memref<1x8192xf32, #tpu.memory_space<vmem>>, vector<1x128xf32>
    %add3A_666 = vector.broadcast %broadcast_in_dim3A : vector<256x1xf32> to vector<256x128xf32>
    %add3A_667 = vector.broadcast %get3A_665 : vector<1x128xf32> to vector<256x128xf32>
    %add3A_668 = arith.addf %add3A_666, %add3A_667 : vector<256x128xf32>
    %sub3A_669 = arith.subf %add3A_668, %dot_general3A_662 : vector<256x128xf32>
    %lt3A_670 = arith.cmpf olt, %sub3A_669, %select_n3A_654 : vector<256x128xf32>
    %select_n3A_671 = arith.select %lt3A_670, %sub3A_669, %select_n3A_654 : vector<256x128xi1>, vector<256x128xf32>
    %jit3A_672 = arith.constant 3.900000e+01 : f32
    %broadcast_in_dim3A_673 = vector.broadcast %jit3A_672 : f32 to vector<256x128xf32>
    %select_n3A_674 = arith.select %lt3A_670, %broadcast_in_dim3A_673, %select_n3A_657 : vector<256x128xi1>, vector<256x128xf32>
    %get3A_675 = arith.constant 5120 : index
    %get3A_676 = arith.constant 0 : index
    %get3A_677 = vector.load %arg3[%get3A_675, %get3A_676] : memref<8192x32xf32, #tpu.memory_space<vmem>>, vector<128x32xf32>
    %dot_general3A_678 = arith.constant dense<0.000000e+00> : vector<256x128xf32>
    %dot_general3A_679 = tpu.matmul %add3A, %get3A_677, %dot_general3A_678 {dimension_numbers = #tpu.dot_dimension_numbers<[1], [1], [0], [0], [0, 0, 1, 0], [], []>, transpose_lhs_hint = false} : vector<256x32xf32>, vector<128x32xf32>, vector<256x128xf32> -> vector<256x128xf32>
    %get3A_680 = arith.constant 0 : index
    %get3A_681 = arith.constant 5120 : index
    %get3A_682 = vector.load %arg2[%get3A_680, %get3A_681] : memref<1x8192xf32, #tpu.memory_space<vmem>>, vector<1x128xf32>
    %add3A_683 = vector.broadcast %broadcast_in_dim3A : vector<256x1xf32> to vector<256x128xf32>
    %add3A_684 = vector.broadcast %get3A_682 : vector<1x128xf32> to vector<256x128xf32>
    %add3A_685 = arith.addf %add3A_683, %add3A_684 : vector<256x128xf32>
    %sub3A_686 = arith.subf %add3A_685, %dot_general3A_679 : vector<256x128xf32>
    %lt3A_687 = arith.cmpf olt, %sub3A_686, %select_n3A_671 : vector<256x128xf32>
    %select_n3A_688 = arith.select %lt3A_687, %sub3A_686, %select_n3A_671 : vector<256x128xi1>, vector<256x128xf32>
    %jit3A_689 = arith.constant 4.000000e+01 : f32
    %broadcast_in_dim3A_690 = vector.broadcast %jit3A_689 : f32 to vector<256x128xf32>
    %select_n3A_691 = arith.select %lt3A_687, %broadcast_in_dim3A_690, %select_n3A_674 : vector<256x128xi1>, vector<256x128xf32>
    %get3A_692 = arith.constant 5248 : index
    %get3A_693 = arith.constant 0 : index
    %get3A_694 = vector.load %arg3[%get3A_692, %get3A_693] : memref<8192x32xf32, #tpu.memory_space<vmem>>, vector<128x32xf32>
    %dot_general3A_695 = arith.constant dense<0.000000e+00> : vector<256x128xf32>
    %dot_general3A_696 = tpu.matmul %add3A, %get3A_694, %dot_general3A_695 {dimension_numbers = #tpu.dot_dimension_numbers<[1], [1], [0], [0], [0, 0, 1, 0], [], []>, transpose_lhs_hint = false} : vector<256x32xf32>, vector<128x32xf32>, vector<256x128xf32> -> vector<256x128xf32>
    %get3A_697 = arith.constant 0 : index
    %get3A_698 = arith.constant 5248 : index
    %get3A_699 = vector.load %arg2[%get3A_697, %get3A_698] : memref<1x8192xf32, #tpu.memory_space<vmem>>, vector<1x128xf32>
    %add3A_700 = vector.broadcast %broadcast_in_dim3A : vector<256x1xf32> to vector<256x128xf32>
    %add3A_701 = vector.broadcast %get3A_699 : vector<1x128xf32> to vector<256x128xf32>
    %add3A_702 = arith.addf %add3A_700, %add3A_701 : vector<256x128xf32>
    %sub3A_703 = arith.subf %add3A_702, %dot_general3A_696 : vector<256x128xf32>
    %lt3A_704 = arith.cmpf olt, %sub3A_703, %select_n3A_688 : vector<256x128xf32>
    %select_n3A_705 = arith.select %lt3A_704, %sub3A_703, %select_n3A_688 : vector<256x128xi1>, vector<256x128xf32>
    %jit3A_706 = arith.constant 4.100000e+01 : f32
    %broadcast_in_dim3A_707 = vector.broadcast %jit3A_706 : f32 to vector<256x128xf32>
    %select_n3A_708 = arith.select %lt3A_704, %broadcast_in_dim3A_707, %select_n3A_691 : vector<256x128xi1>, vector<256x128xf32>
    %get3A_709 = arith.constant 5376 : index
    %get3A_710 = arith.constant 0 : index
    %get3A_711 = vector.load %arg3[%get3A_709, %get3A_710] : memref<8192x32xf32, #tpu.memory_space<vmem>>, vector<128x32xf32>
    %dot_general3A_712 = arith.constant dense<0.000000e+00> : vector<256x128xf32>
    %dot_general3A_713 = tpu.matmul %add3A, %get3A_711, %dot_general3A_712 {dimension_numbers = #tpu.dot_dimension_numbers<[1], [1], [0], [0], [0, 0, 1, 0], [], []>, transpose_lhs_hint = false} : vector<256x32xf32>, vector<128x32xf32>, vector<256x128xf32> -> vector<256x128xf32>
    %get3A_714 = arith.constant 0 : index
    %get3A_715 = arith.constant 5376 : index
    %get3A_716 = vector.load %arg2[%get3A_714, %get3A_715] : memref<1x8192xf32, #tpu.memory_space<vmem>>, vector<1x128xf32>
    %add3A_717 = vector.broadcast %broadcast_in_dim3A : vector<256x1xf32> to vector<256x128xf32>
    %add3A_718 = vector.broadcast %get3A_716 : vector<1x128xf32> to vector<256x128xf32>
    %add3A_719 = arith.addf %add3A_717, %add3A_718 : vector<256x128xf32>
    %sub3A_720 = arith.subf %add3A_719, %dot_general3A_713 : vector<256x128xf32>
    %lt3A_721 = arith.cmpf olt, %sub3A_720, %select_n3A_705 : vector<256x128xf32>
    %select_n3A_722 = arith.select %lt3A_721, %sub3A_720, %select_n3A_705 : vector<256x128xi1>, vector<256x128xf32>
    %jit3A_723 = arith.constant 4.200000e+01 : f32
    %broadcast_in_dim3A_724 = vector.broadcast %jit3A_723 : f32 to vector<256x128xf32>
    %select_n3A_725 = arith.select %lt3A_721, %broadcast_in_dim3A_724, %select_n3A_708 : vector<256x128xi1>, vector<256x128xf32>
    %get3A_726 = arith.constant 5504 : index
    %get3A_727 = arith.constant 0 : index
    %get3A_728 = vector.load %arg3[%get3A_726, %get3A_727] : memref<8192x32xf32, #tpu.memory_space<vmem>>, vector<128x32xf32>
    %dot_general3A_729 = arith.constant dense<0.000000e+00> : vector<256x128xf32>
    %dot_general3A_730 = tpu.matmul %add3A, %get3A_728, %dot_general3A_729 {dimension_numbers = #tpu.dot_dimension_numbers<[1], [1], [0], [0], [0, 0, 1, 0], [], []>, transpose_lhs_hint = false} : vector<256x32xf32>, vector<128x32xf32>, vector<256x128xf32> -> vector<256x128xf32>
    %get3A_731 = arith.constant 0 : index
    %get3A_732 = arith.constant 5504 : index
    %get3A_733 = vector.load %arg2[%get3A_731, %get3A_732] : memref<1x8192xf32, #tpu.memory_space<vmem>>, vector<1x128xf32>
    %add3A_734 = vector.broadcast %broadcast_in_dim3A : vector<256x1xf32> to vector<256x128xf32>
    %add3A_735 = vector.broadcast %get3A_733 : vector<1x128xf32> to vector<256x128xf32>
    %add3A_736 = arith.addf %add3A_734, %add3A_735 : vector<256x128xf32>
    %sub3A_737 = arith.subf %add3A_736, %dot_general3A_730 : vector<256x128xf32>
    %lt3A_738 = arith.cmpf olt, %sub3A_737, %select_n3A_722 : vector<256x128xf32>
    %select_n3A_739 = arith.select %lt3A_738, %sub3A_737, %select_n3A_722 : vector<256x128xi1>, vector<256x128xf32>
    %jit3A_740 = arith.constant 4.300000e+01 : f32
    %broadcast_in_dim3A_741 = vector.broadcast %jit3A_740 : f32 to vector<256x128xf32>
    %select_n3A_742 = arith.select %lt3A_738, %broadcast_in_dim3A_741, %select_n3A_725 : vector<256x128xi1>, vector<256x128xf32>
    %get3A_743 = arith.constant 5632 : index
    %get3A_744 = arith.constant 0 : index
    %get3A_745 = vector.load %arg3[%get3A_743, %get3A_744] : memref<8192x32xf32, #tpu.memory_space<vmem>>, vector<128x32xf32>
    %dot_general3A_746 = arith.constant dense<0.000000e+00> : vector<256x128xf32>
    %dot_general3A_747 = tpu.matmul %add3A, %get3A_745, %dot_general3A_746 {dimension_numbers = #tpu.dot_dimension_numbers<[1], [1], [0], [0], [0, 0, 1, 0], [], []>, transpose_lhs_hint = false} : vector<256x32xf32>, vector<128x32xf32>, vector<256x128xf32> -> vector<256x128xf32>
    %get3A_748 = arith.constant 0 : index
    %get3A_749 = arith.constant 5632 : index
    %get3A_750 = vector.load %arg2[%get3A_748, %get3A_749] : memref<1x8192xf32, #tpu.memory_space<vmem>>, vector<1x128xf32>
    %add3A_751 = vector.broadcast %broadcast_in_dim3A : vector<256x1xf32> to vector<256x128xf32>
    %add3A_752 = vector.broadcast %get3A_750 : vector<1x128xf32> to vector<256x128xf32>
    %add3A_753 = arith.addf %add3A_751, %add3A_752 : vector<256x128xf32>
    %sub3A_754 = arith.subf %add3A_753, %dot_general3A_747 : vector<256x128xf32>
    %lt3A_755 = arith.cmpf olt, %sub3A_754, %select_n3A_739 : vector<256x128xf32>
    %select_n3A_756 = arith.select %lt3A_755, %sub3A_754, %select_n3A_739 : vector<256x128xi1>, vector<256x128xf32>
    %jit3A_757 = arith.constant 4.400000e+01 : f32
    %broadcast_in_dim3A_758 = vector.broadcast %jit3A_757 : f32 to vector<256x128xf32>
    %select_n3A_759 = arith.select %lt3A_755, %broadcast_in_dim3A_758, %select_n3A_742 : vector<256x128xi1>, vector<256x128xf32>
    %get3A_760 = arith.constant 5760 : index
    %get3A_761 = arith.constant 0 : index
    %get3A_762 = vector.load %arg3[%get3A_760, %get3A_761] : memref<8192x32xf32, #tpu.memory_space<vmem>>, vector<128x32xf32>
    %dot_general3A_763 = arith.constant dense<0.000000e+00> : vector<256x128xf32>
    %dot_general3A_764 = tpu.matmul %add3A, %get3A_762, %dot_general3A_763 {dimension_numbers = #tpu.dot_dimension_numbers<[1], [1], [0], [0], [0, 0, 1, 0], [], []>, transpose_lhs_hint = false} : vector<256x32xf32>, vector<128x32xf32>, vector<256x128xf32> -> vector<256x128xf32>
    %get3A_765 = arith.constant 0 : index
    %get3A_766 = arith.constant 5760 : index
    %get3A_767 = vector.load %arg2[%get3A_765, %get3A_766] : memref<1x8192xf32, #tpu.memory_space<vmem>>, vector<1x128xf32>
    %add3A_768 = vector.broadcast %broadcast_in_dim3A : vector<256x1xf32> to vector<256x128xf32>
    %add3A_769 = vector.broadcast %get3A_767 : vector<1x128xf32> to vector<256x128xf32>
    %add3A_770 = arith.addf %add3A_768, %add3A_769 : vector<256x128xf32>
    %sub3A_771 = arith.subf %add3A_770, %dot_general3A_764 : vector<256x128xf32>
    %lt3A_772 = arith.cmpf olt, %sub3A_771, %select_n3A_756 : vector<256x128xf32>
    %select_n3A_773 = arith.select %lt3A_772, %sub3A_771, %select_n3A_756 : vector<256x128xi1>, vector<256x128xf32>
    %jit3A_774 = arith.constant 4.500000e+01 : f32
    %broadcast_in_dim3A_775 = vector.broadcast %jit3A_774 : f32 to vector<256x128xf32>
    %select_n3A_776 = arith.select %lt3A_772, %broadcast_in_dim3A_775, %select_n3A_759 : vector<256x128xi1>, vector<256x128xf32>
    %get3A_777 = arith.constant 5888 : index
    %get3A_778 = arith.constant 0 : index
    %get3A_779 = vector.load %arg3[%get3A_777, %get3A_778] : memref<8192x32xf32, #tpu.memory_space<vmem>>, vector<128x32xf32>
    %dot_general3A_780 = arith.constant dense<0.000000e+00> : vector<256x128xf32>
    %dot_general3A_781 = tpu.matmul %add3A, %get3A_779, %dot_general3A_780 {dimension_numbers = #tpu.dot_dimension_numbers<[1], [1], [0], [0], [0, 0, 1, 0], [], []>, transpose_lhs_hint = false} : vector<256x32xf32>, vector<128x32xf32>, vector<256x128xf32> -> vector<256x128xf32>
    %get3A_782 = arith.constant 0 : index
    %get3A_783 = arith.constant 5888 : index
    %get3A_784 = vector.load %arg2[%get3A_782, %get3A_783] : memref<1x8192xf32, #tpu.memory_space<vmem>>, vector<1x128xf32>
    %add3A_785 = vector.broadcast %broadcast_in_dim3A : vector<256x1xf32> to vector<256x128xf32>
    %add3A_786 = vector.broadcast %get3A_784 : vector<1x128xf32> to vector<256x128xf32>
    %add3A_787 = arith.addf %add3A_785, %add3A_786 : vector<256x128xf32>
    %sub3A_788 = arith.subf %add3A_787, %dot_general3A_781 : vector<256x128xf32>
    %lt3A_789 = arith.cmpf olt, %sub3A_788, %select_n3A_773 : vector<256x128xf32>
    %select_n3A_790 = arith.select %lt3A_789, %sub3A_788, %select_n3A_773 : vector<256x128xi1>, vector<256x128xf32>
    %jit3A_791 = arith.constant 4.600000e+01 : f32
    %broadcast_in_dim3A_792 = vector.broadcast %jit3A_791 : f32 to vector<256x128xf32>
    %select_n3A_793 = arith.select %lt3A_789, %broadcast_in_dim3A_792, %select_n3A_776 : vector<256x128xi1>, vector<256x128xf32>
    %get3A_794 = arith.constant 6016 : index
    %get3A_795 = arith.constant 0 : index
    %get3A_796 = vector.load %arg3[%get3A_794, %get3A_795] : memref<8192x32xf32, #tpu.memory_space<vmem>>, vector<128x32xf32>
    %dot_general3A_797 = arith.constant dense<0.000000e+00> : vector<256x128xf32>
    %dot_general3A_798 = tpu.matmul %add3A, %get3A_796, %dot_general3A_797 {dimension_numbers = #tpu.dot_dimension_numbers<[1], [1], [0], [0], [0, 0, 1, 0], [], []>, transpose_lhs_hint = false} : vector<256x32xf32>, vector<128x32xf32>, vector<256x128xf32> -> vector<256x128xf32>
    %get3A_799 = arith.constant 0 : index
    %get3A_800 = arith.constant 6016 : index
    %get3A_801 = vector.load %arg2[%get3A_799, %get3A_800] : memref<1x8192xf32, #tpu.memory_space<vmem>>, vector<1x128xf32>
    %add3A_802 = vector.broadcast %broadcast_in_dim3A : vector<256x1xf32> to vector<256x128xf32>
    %add3A_803 = vector.broadcast %get3A_801 : vector<1x128xf32> to vector<256x128xf32>
    %add3A_804 = arith.addf %add3A_802, %add3A_803 : vector<256x128xf32>
    %sub3A_805 = arith.subf %add3A_804, %dot_general3A_798 : vector<256x128xf32>
    %lt3A_806 = arith.cmpf olt, %sub3A_805, %select_n3A_790 : vector<256x128xf32>
    %select_n3A_807 = arith.select %lt3A_806, %sub3A_805, %select_n3A_790 : vector<256x128xi1>, vector<256x128xf32>
    %jit3A_808 = arith.constant 4.700000e+01 : f32
    %broadcast_in_dim3A_809 = vector.broadcast %jit3A_808 : f32 to vector<256x128xf32>
    %select_n3A_810 = arith.select %lt3A_806, %broadcast_in_dim3A_809, %select_n3A_793 : vector<256x128xi1>, vector<256x128xf32>
    %get3A_811 = arith.constant 6144 : index
    %get3A_812 = arith.constant 0 : index
    %get3A_813 = vector.load %arg3[%get3A_811, %get3A_812] : memref<8192x32xf32, #tpu.memory_space<vmem>>, vector<128x32xf32>
    %dot_general3A_814 = arith.constant dense<0.000000e+00> : vector<256x128xf32>
    %dot_general3A_815 = tpu.matmul %add3A, %get3A_813, %dot_general3A_814 {dimension_numbers = #tpu.dot_dimension_numbers<[1], [1], [0], [0], [0, 0, 1, 0], [], []>, transpose_lhs_hint = false} : vector<256x32xf32>, vector<128x32xf32>, vector<256x128xf32> -> vector<256x128xf32>
    %get3A_816 = arith.constant 0 : index
    %get3A_817 = arith.constant 6144 : index
    %get3A_818 = vector.load %arg2[%get3A_816, %get3A_817] : memref<1x8192xf32, #tpu.memory_space<vmem>>, vector<1x128xf32>
    %add3A_819 = vector.broadcast %broadcast_in_dim3A : vector<256x1xf32> to vector<256x128xf32>
    %add3A_820 = vector.broadcast %get3A_818 : vector<1x128xf32> to vector<256x128xf32>
    %add3A_821 = arith.addf %add3A_819, %add3A_820 : vector<256x128xf32>
    %sub3A_822 = arith.subf %add3A_821, %dot_general3A_815 : vector<256x128xf32>
    %lt3A_823 = arith.cmpf olt, %sub3A_822, %select_n3A_807 : vector<256x128xf32>
    %select_n3A_824 = arith.select %lt3A_823, %sub3A_822, %select_n3A_807 : vector<256x128xi1>, vector<256x128xf32>
    %jit3A_825 = arith.constant 4.800000e+01 : f32
    %broadcast_in_dim3A_826 = vector.broadcast %jit3A_825 : f32 to vector<256x128xf32>
    %select_n3A_827 = arith.select %lt3A_823, %broadcast_in_dim3A_826, %select_n3A_810 : vector<256x128xi1>, vector<256x128xf32>
    %get3A_828 = arith.constant 6272 : index
    %get3A_829 = arith.constant 0 : index
    %get3A_830 = vector.load %arg3[%get3A_828, %get3A_829] : memref<8192x32xf32, #tpu.memory_space<vmem>>, vector<128x32xf32>
    %dot_general3A_831 = arith.constant dense<0.000000e+00> : vector<256x128xf32>
    %dot_general3A_832 = tpu.matmul %add3A, %get3A_830, %dot_general3A_831 {dimension_numbers = #tpu.dot_dimension_numbers<[1], [1], [0], [0], [0, 0, 1, 0], [], []>, transpose_lhs_hint = false} : vector<256x32xf32>, vector<128x32xf32>, vector<256x128xf32> -> vector<256x128xf32>
    %get3A_833 = arith.constant 0 : index
    %get3A_834 = arith.constant 6272 : index
    %get3A_835 = vector.load %arg2[%get3A_833, %get3A_834] : memref<1x8192xf32, #tpu.memory_space<vmem>>, vector<1x128xf32>
    %add3A_836 = vector.broadcast %broadcast_in_dim3A : vector<256x1xf32> to vector<256x128xf32>
    %add3A_837 = vector.broadcast %get3A_835 : vector<1x128xf32> to vector<256x128xf32>
    %add3A_838 = arith.addf %add3A_836, %add3A_837 : vector<256x128xf32>
    %sub3A_839 = arith.subf %add3A_838, %dot_general3A_832 : vector<256x128xf32>
    %lt3A_840 = arith.cmpf olt, %sub3A_839, %select_n3A_824 : vector<256x128xf32>
    %select_n3A_841 = arith.select %lt3A_840, %sub3A_839, %select_n3A_824 : vector<256x128xi1>, vector<256x128xf32>
    %jit3A_842 = arith.constant 4.900000e+01 : f32
    %broadcast_in_dim3A_843 = vector.broadcast %jit3A_842 : f32 to vector<256x128xf32>
    %select_n3A_844 = arith.select %lt3A_840, %broadcast_in_dim3A_843, %select_n3A_827 : vector<256x128xi1>, vector<256x128xf32>
    %get3A_845 = arith.constant 6400 : index
    %get3A_846 = arith.constant 0 : index
    %get3A_847 = vector.load %arg3[%get3A_845, %get3A_846] : memref<8192x32xf32, #tpu.memory_space<vmem>>, vector<128x32xf32>
    %dot_general3A_848 = arith.constant dense<0.000000e+00> : vector<256x128xf32>
    %dot_general3A_849 = tpu.matmul %add3A, %get3A_847, %dot_general3A_848 {dimension_numbers = #tpu.dot_dimension_numbers<[1], [1], [0], [0], [0, 0, 1, 0], [], []>, transpose_lhs_hint = false} : vector<256x32xf32>, vector<128x32xf32>, vector<256x128xf32> -> vector<256x128xf32>
    %get3A_850 = arith.constant 0 : index
    %get3A_851 = arith.constant 6400 : index
    %get3A_852 = vector.load %arg2[%get3A_850, %get3A_851] : memref<1x8192xf32, #tpu.memory_space<vmem>>, vector<1x128xf32>
    %add3A_853 = vector.broadcast %broadcast_in_dim3A : vector<256x1xf32> to vector<256x128xf32>
    %add3A_854 = vector.broadcast %get3A_852 : vector<1x128xf32> to vector<256x128xf32>
    %add3A_855 = arith.addf %add3A_853, %add3A_854 : vector<256x128xf32>
    %sub3A_856 = arith.subf %add3A_855, %dot_general3A_849 : vector<256x128xf32>
    %lt3A_857 = arith.cmpf olt, %sub3A_856, %select_n3A_841 : vector<256x128xf32>
    %select_n3A_858 = arith.select %lt3A_857, %sub3A_856, %select_n3A_841 : vector<256x128xi1>, vector<256x128xf32>
    %jit3A_859 = arith.constant 5.000000e+01 : f32
    %broadcast_in_dim3A_860 = vector.broadcast %jit3A_859 : f32 to vector<256x128xf32>
    %select_n3A_861 = arith.select %lt3A_857, %broadcast_in_dim3A_860, %select_n3A_844 : vector<256x128xi1>, vector<256x128xf32>
    %get3A_862 = arith.constant 6528 : index
    %get3A_863 = arith.constant 0 : index
    %get3A_864 = vector.load %arg3[%get3A_862, %get3A_863] : memref<8192x32xf32, #tpu.memory_space<vmem>>, vector<128x32xf32>
    %dot_general3A_865 = arith.constant dense<0.000000e+00> : vector<256x128xf32>
    %dot_general3A_866 = tpu.matmul %add3A, %get3A_864, %dot_general3A_865 {dimension_numbers = #tpu.dot_dimension_numbers<[1], [1], [0], [0], [0, 0, 1, 0], [], []>, transpose_lhs_hint = false} : vector<256x32xf32>, vector<128x32xf32>, vector<256x128xf32> -> vector<256x128xf32>
    %get3A_867 = arith.constant 0 : index
    %get3A_868 = arith.constant 6528 : index
    %get3A_869 = vector.load %arg2[%get3A_867, %get3A_868] : memref<1x8192xf32, #tpu.memory_space<vmem>>, vector<1x128xf32>
    %add3A_870 = vector.broadcast %broadcast_in_dim3A : vector<256x1xf32> to vector<256x128xf32>
    %add3A_871 = vector.broadcast %get3A_869 : vector<1x128xf32> to vector<256x128xf32>
    %add3A_872 = arith.addf %add3A_870, %add3A_871 : vector<256x128xf32>
    %sub3A_873 = arith.subf %add3A_872, %dot_general3A_866 : vector<256x128xf32>
    %lt3A_874 = arith.cmpf olt, %sub3A_873, %select_n3A_858 : vector<256x128xf32>
    %select_n3A_875 = arith.select %lt3A_874, %sub3A_873, %select_n3A_858 : vector<256x128xi1>, vector<256x128xf32>
    %jit3A_876 = arith.constant 5.100000e+01 : f32
    %broadcast_in_dim3A_877 = vector.broadcast %jit3A_876 : f32 to vector<256x128xf32>
    %select_n3A_878 = arith.select %lt3A_874, %broadcast_in_dim3A_877, %select_n3A_861 : vector<256x128xi1>, vector<256x128xf32>
    %get3A_879 = arith.constant 6656 : index
    %get3A_880 = arith.constant 0 : index
    %get3A_881 = vector.load %arg3[%get3A_879, %get3A_880] : memref<8192x32xf32, #tpu.memory_space<vmem>>, vector<128x32xf32>
    %dot_general3A_882 = arith.constant dense<0.000000e+00> : vector<256x128xf32>
    %dot_general3A_883 = tpu.matmul %add3A, %get3A_881, %dot_general3A_882 {dimension_numbers = #tpu.dot_dimension_numbers<[1], [1], [0], [0], [0, 0, 1, 0], [], []>, transpose_lhs_hint = false} : vector<256x32xf32>, vector<128x32xf32>, vector<256x128xf32> -> vector<256x128xf32>
    %get3A_884 = arith.constant 0 : index
    %get3A_885 = arith.constant 6656 : index
    %get3A_886 = vector.load %arg2[%get3A_884, %get3A_885] : memref<1x8192xf32, #tpu.memory_space<vmem>>, vector<1x128xf32>
    %add3A_887 = vector.broadcast %broadcast_in_dim3A : vector<256x1xf32> to vector<256x128xf32>
    %add3A_888 = vector.broadcast %get3A_886 : vector<1x128xf32> to vector<256x128xf32>
    %add3A_889 = arith.addf %add3A_887, %add3A_888 : vector<256x128xf32>
    %sub3A_890 = arith.subf %add3A_889, %dot_general3A_883 : vector<256x128xf32>
    %lt3A_891 = arith.cmpf olt, %sub3A_890, %select_n3A_875 : vector<256x128xf32>
    %select_n3A_892 = arith.select %lt3A_891, %sub3A_890, %select_n3A_875 : vector<256x128xi1>, vector<256x128xf32>
    %jit3A_893 = arith.constant 5.200000e+01 : f32
    %broadcast_in_dim3A_894 = vector.broadcast %jit3A_893 : f32 to vector<256x128xf32>
    %select_n3A_895 = arith.select %lt3A_891, %broadcast_in_dim3A_894, %select_n3A_878 : vector<256x128xi1>, vector<256x128xf32>
    %get3A_896 = arith.constant 6784 : index
    %get3A_897 = arith.constant 0 : index
    %get3A_898 = vector.load %arg3[%get3A_896, %get3A_897] : memref<8192x32xf32, #tpu.memory_space<vmem>>, vector<128x32xf32>
    %dot_general3A_899 = arith.constant dense<0.000000e+00> : vector<256x128xf32>
    %dot_general3A_900 = tpu.matmul %add3A, %get3A_898, %dot_general3A_899 {dimension_numbers = #tpu.dot_dimension_numbers<[1], [1], [0], [0], [0, 0, 1, 0], [], []>, transpose_lhs_hint = false} : vector<256x32xf32>, vector<128x32xf32>, vector<256x128xf32> -> vector<256x128xf32>
    %get3A_901 = arith.constant 0 : index
    %get3A_902 = arith.constant 6784 : index
    %get3A_903 = vector.load %arg2[%get3A_901, %get3A_902] : memref<1x8192xf32, #tpu.memory_space<vmem>>, vector<1x128xf32>
    %add3A_904 = vector.broadcast %broadcast_in_dim3A : vector<256x1xf32> to vector<256x128xf32>
    %add3A_905 = vector.broadcast %get3A_903 : vector<1x128xf32> to vector<256x128xf32>
    %add3A_906 = arith.addf %add3A_904, %add3A_905 : vector<256x128xf32>
    %sub3A_907 = arith.subf %add3A_906, %dot_general3A_900 : vector<256x128xf32>
    %lt3A_908 = arith.cmpf olt, %sub3A_907, %select_n3A_892 : vector<256x128xf32>
    %select_n3A_909 = arith.select %lt3A_908, %sub3A_907, %select_n3A_892 : vector<256x128xi1>, vector<256x128xf32>
    %jit3A_910 = arith.constant 5.300000e+01 : f32
    %broadcast_in_dim3A_911 = vector.broadcast %jit3A_910 : f32 to vector<256x128xf32>
    %select_n3A_912 = arith.select %lt3A_908, %broadcast_in_dim3A_911, %select_n3A_895 : vector<256x128xi1>, vector<256x128xf32>
    %get3A_913 = arith.constant 6912 : index
    %get3A_914 = arith.constant 0 : index
    %get3A_915 = vector.load %arg3[%get3A_913, %get3A_914] : memref<8192x32xf32, #tpu.memory_space<vmem>>, vector<128x32xf32>
    %dot_general3A_916 = arith.constant dense<0.000000e+00> : vector<256x128xf32>
    %dot_general3A_917 = tpu.matmul %add3A, %get3A_915, %dot_general3A_916 {dimension_numbers = #tpu.dot_dimension_numbers<[1], [1], [0], [0], [0, 0, 1, 0], [], []>, transpose_lhs_hint = false} : vector<256x32xf32>, vector<128x32xf32>, vector<256x128xf32> -> vector<256x128xf32>
    %get3A_918 = arith.constant 0 : index
    %get3A_919 = arith.constant 6912 : index
    %get3A_920 = vector.load %arg2[%get3A_918, %get3A_919] : memref<1x8192xf32, #tpu.memory_space<vmem>>, vector<1x128xf32>
    %add3A_921 = vector.broadcast %broadcast_in_dim3A : vector<256x1xf32> to vector<256x128xf32>
    %add3A_922 = vector.broadcast %get3A_920 : vector<1x128xf32> to vector<256x128xf32>
    %add3A_923 = arith.addf %add3A_921, %add3A_922 : vector<256x128xf32>
    %sub3A_924 = arith.subf %add3A_923, %dot_general3A_917 : vector<256x128xf32>
    %lt3A_925 = arith.cmpf olt, %sub3A_924, %select_n3A_909 : vector<256x128xf32>
    %select_n3A_926 = arith.select %lt3A_925, %sub3A_924, %select_n3A_909 : vector<256x128xi1>, vector<256x128xf32>
    %jit3A_927 = arith.constant 5.400000e+01 : f32
    %broadcast_in_dim3A_928 = vector.broadcast %jit3A_927 : f32 to vector<256x128xf32>
    %select_n3A_929 = arith.select %lt3A_925, %broadcast_in_dim3A_928, %select_n3A_912 : vector<256x128xi1>, vector<256x128xf32>
    %get3A_930 = arith.constant 7040 : index
    %get3A_931 = arith.constant 0 : index
    %get3A_932 = vector.load %arg3[%get3A_930, %get3A_931] : memref<8192x32xf32, #tpu.memory_space<vmem>>, vector<128x32xf32>
    %dot_general3A_933 = arith.constant dense<0.000000e+00> : vector<256x128xf32>
    %dot_general3A_934 = tpu.matmul %add3A, %get3A_932, %dot_general3A_933 {dimension_numbers = #tpu.dot_dimension_numbers<[1], [1], [0], [0], [0, 0, 1, 0], [], []>, transpose_lhs_hint = false} : vector<256x32xf32>, vector<128x32xf32>, vector<256x128xf32> -> vector<256x128xf32>
    %get3A_935 = arith.constant 0 : index
    %get3A_936 = arith.constant 7040 : index
    %get3A_937 = vector.load %arg2[%get3A_935, %get3A_936] : memref<1x8192xf32, #tpu.memory_space<vmem>>, vector<1x128xf32>
    %add3A_938 = vector.broadcast %broadcast_in_dim3A : vector<256x1xf32> to vector<256x128xf32>
    %add3A_939 = vector.broadcast %get3A_937 : vector<1x128xf32> to vector<256x128xf32>
    %add3A_940 = arith.addf %add3A_938, %add3A_939 : vector<256x128xf32>
    %sub3A_941 = arith.subf %add3A_940, %dot_general3A_934 : vector<256x128xf32>
    %lt3A_942 = arith.cmpf olt, %sub3A_941, %select_n3A_926 : vector<256x128xf32>
    %select_n3A_943 = arith.select %lt3A_942, %sub3A_941, %select_n3A_926 : vector<256x128xi1>, vector<256x128xf32>
    %jit3A_944 = arith.constant 5.500000e+01 : f32
    %broadcast_in_dim3A_945 = vector.broadcast %jit3A_944 : f32 to vector<256x128xf32>
    %select_n3A_946 = arith.select %lt3A_942, %broadcast_in_dim3A_945, %select_n3A_929 : vector<256x128xi1>, vector<256x128xf32>
    %get3A_947 = arith.constant 7168 : index
    %get3A_948 = arith.constant 0 : index
    %get3A_949 = vector.load %arg3[%get3A_947, %get3A_948] : memref<8192x32xf32, #tpu.memory_space<vmem>>, vector<128x32xf32>
    %dot_general3A_950 = arith.constant dense<0.000000e+00> : vector<256x128xf32>
    %dot_general3A_951 = tpu.matmul %add3A, %get3A_949, %dot_general3A_950 {dimension_numbers = #tpu.dot_dimension_numbers<[1], [1], [0], [0], [0, 0, 1, 0], [], []>, transpose_lhs_hint = false} : vector<256x32xf32>, vector<128x32xf32>, vector<256x128xf32> -> vector<256x128xf32>
    %get3A_952 = arith.constant 0 : index
    %get3A_953 = arith.constant 7168 : index
    %get3A_954 = vector.load %arg2[%get3A_952, %get3A_953] : memref<1x8192xf32, #tpu.memory_space<vmem>>, vector<1x128xf32>
    %add3A_955 = vector.broadcast %broadcast_in_dim3A : vector<256x1xf32> to vector<256x128xf32>
    %add3A_956 = vector.broadcast %get3A_954 : vector<1x128xf32> to vector<256x128xf32>
    %add3A_957 = arith.addf %add3A_955, %add3A_956 : vector<256x128xf32>
    %sub3A_958 = arith.subf %add3A_957, %dot_general3A_951 : vector<256x128xf32>
    %lt3A_959 = arith.cmpf olt, %sub3A_958, %select_n3A_943 : vector<256x128xf32>
    %select_n3A_960 = arith.select %lt3A_959, %sub3A_958, %select_n3A_943 : vector<256x128xi1>, vector<256x128xf32>
    %jit3A_961 = arith.constant 5.600000e+01 : f32
    %broadcast_in_dim3A_962 = vector.broadcast %jit3A_961 : f32 to vector<256x128xf32>
    %select_n3A_963 = arith.select %lt3A_959, %broadcast_in_dim3A_962, %select_n3A_946 : vector<256x128xi1>, vector<256x128xf32>
    %get3A_964 = arith.constant 7296 : index
    %get3A_965 = arith.constant 0 : index
    %get3A_966 = vector.load %arg3[%get3A_964, %get3A_965] : memref<8192x32xf32, #tpu.memory_space<vmem>>, vector<128x32xf32>
    %dot_general3A_967 = arith.constant dense<0.000000e+00> : vector<256x128xf32>
    %dot_general3A_968 = tpu.matmul %add3A, %get3A_966, %dot_general3A_967 {dimension_numbers = #tpu.dot_dimension_numbers<[1], [1], [0], [0], [0, 0, 1, 0], [], []>, transpose_lhs_hint = false} : vector<256x32xf32>, vector<128x32xf32>, vector<256x128xf32> -> vector<256x128xf32>
    %get3A_969 = arith.constant 0 : index
    %get3A_970 = arith.constant 7296 : index
    %get3A_971 = vector.load %arg2[%get3A_969, %get3A_970] : memref<1x8192xf32, #tpu.memory_space<vmem>>, vector<1x128xf32>
    %add3A_972 = vector.broadcast %broadcast_in_dim3A : vector<256x1xf32> to vector<256x128xf32>
    %add3A_973 = vector.broadcast %get3A_971 : vector<1x128xf32> to vector<256x128xf32>
    %add3A_974 = arith.addf %add3A_972, %add3A_973 : vector<256x128xf32>
    %sub3A_975 = arith.subf %add3A_974, %dot_general3A_968 : vector<256x128xf32>
    %lt3A_976 = arith.cmpf olt, %sub3A_975, %select_n3A_960 : vector<256x128xf32>
    %select_n3A_977 = arith.select %lt3A_976, %sub3A_975, %select_n3A_960 : vector<256x128xi1>, vector<256x128xf32>
    %jit3A_978 = arith.constant 5.700000e+01 : f32
    %broadcast_in_dim3A_979 = vector.broadcast %jit3A_978 : f32 to vector<256x128xf32>
    %select_n3A_980 = arith.select %lt3A_976, %broadcast_in_dim3A_979, %select_n3A_963 : vector<256x128xi1>, vector<256x128xf32>
    %get3A_981 = arith.constant 7424 : index
    %get3A_982 = arith.constant 0 : index
    %get3A_983 = vector.load %arg3[%get3A_981, %get3A_982] : memref<8192x32xf32, #tpu.memory_space<vmem>>, vector<128x32xf32>
    %dot_general3A_984 = arith.constant dense<0.000000e+00> : vector<256x128xf32>
    %dot_general3A_985 = tpu.matmul %add3A, %get3A_983, %dot_general3A_984 {dimension_numbers = #tpu.dot_dimension_numbers<[1], [1], [0], [0], [0, 0, 1, 0], [], []>, transpose_lhs_hint = false} : vector<256x32xf32>, vector<128x32xf32>, vector<256x128xf32> -> vector<256x128xf32>
    %get3A_986 = arith.constant 0 : index
    %get3A_987 = arith.constant 7424 : index
    %get3A_988 = vector.load %arg2[%get3A_986, %get3A_987] : memref<1x8192xf32, #tpu.memory_space<vmem>>, vector<1x128xf32>
    %add3A_989 = vector.broadcast %broadcast_in_dim3A : vector<256x1xf32> to vector<256x128xf32>
    %add3A_990 = vector.broadcast %get3A_988 : vector<1x128xf32> to vector<256x128xf32>
    %add3A_991 = arith.addf %add3A_989, %add3A_990 : vector<256x128xf32>
    %sub3A_992 = arith.subf %add3A_991, %dot_general3A_985 : vector<256x128xf32>
    %lt3A_993 = arith.cmpf olt, %sub3A_992, %select_n3A_977 : vector<256x128xf32>
    %select_n3A_994 = arith.select %lt3A_993, %sub3A_992, %select_n3A_977 : vector<256x128xi1>, vector<256x128xf32>
    %jit3A_995 = arith.constant 5.800000e+01 : f32
    %broadcast_in_dim3A_996 = vector.broadcast %jit3A_995 : f32 to vector<256x128xf32>
    %select_n3A_997 = arith.select %lt3A_993, %broadcast_in_dim3A_996, %select_n3A_980 : vector<256x128xi1>, vector<256x128xf32>
    %get3A_998 = arith.constant 7552 : index
    %get3A_999 = arith.constant 0 : index
    %get3A_1000 = vector.load %arg3[%get3A_998, %get3A_999] : memref<8192x32xf32, #tpu.memory_space<vmem>>, vector<128x32xf32>
    %dot_general3A_1001 = arith.constant dense<0.000000e+00> : vector<256x128xf32>
    %dot_general3A_1002 = tpu.matmul %add3A, %get3A_1000, %dot_general3A_1001 {dimension_numbers = #tpu.dot_dimension_numbers<[1], [1], [0], [0], [0, 0, 1, 0], [], []>, transpose_lhs_hint = false} : vector<256x32xf32>, vector<128x32xf32>, vector<256x128xf32> -> vector<256x128xf32>
    %get3A_1003 = arith.constant 0 : index
    %get3A_1004 = arith.constant 7552 : index
    %get3A_1005 = vector.load %arg2[%get3A_1003, %get3A_1004] : memref<1x8192xf32, #tpu.memory_space<vmem>>, vector<1x128xf32>
    %add3A_1006 = vector.broadcast %broadcast_in_dim3A : vector<256x1xf32> to vector<256x128xf32>
    %add3A_1007 = vector.broadcast %get3A_1005 : vector<1x128xf32> to vector<256x128xf32>
    %add3A_1008 = arith.addf %add3A_1006, %add3A_1007 : vector<256x128xf32>
    %sub3A_1009 = arith.subf %add3A_1008, %dot_general3A_1002 : vector<256x128xf32>
    %lt3A_1010 = arith.cmpf olt, %sub3A_1009, %select_n3A_994 : vector<256x128xf32>
    %select_n3A_1011 = arith.select %lt3A_1010, %sub3A_1009, %select_n3A_994 : vector<256x128xi1>, vector<256x128xf32>
    %jit3A_1012 = arith.constant 5.900000e+01 : f32
    %broadcast_in_dim3A_1013 = vector.broadcast %jit3A_1012 : f32 to vector<256x128xf32>
    %select_n3A_1014 = arith.select %lt3A_1010, %broadcast_in_dim3A_1013, %select_n3A_997 : vector<256x128xi1>, vector<256x128xf32>
    %get3A_1015 = arith.constant 7680 : index
    %get3A_1016 = arith.constant 0 : index
    %get3A_1017 = vector.load %arg3[%get3A_1015, %get3A_1016] : memref<8192x32xf32, #tpu.memory_space<vmem>>, vector<128x32xf32>
    %dot_general3A_1018 = arith.constant dense<0.000000e+00> : vector<256x128xf32>
    %dot_general3A_1019 = tpu.matmul %add3A, %get3A_1017, %dot_general3A_1018 {dimension_numbers = #tpu.dot_dimension_numbers<[1], [1], [0], [0], [0, 0, 1, 0], [], []>, transpose_lhs_hint = false} : vector<256x32xf32>, vector<128x32xf32>, vector<256x128xf32> -> vector<256x128xf32>
    %get3A_1020 = arith.constant 0 : index
    %get3A_1021 = arith.constant 7680 : index
    %get3A_1022 = vector.load %arg2[%get3A_1020, %get3A_1021] : memref<1x8192xf32, #tpu.memory_space<vmem>>, vector<1x128xf32>
    %add3A_1023 = vector.broadcast %broadcast_in_dim3A : vector<256x1xf32> to vector<256x128xf32>
    %add3A_1024 = vector.broadcast %get3A_1022 : vector<1x128xf32> to vector<256x128xf32>
    %add3A_1025 = arith.addf %add3A_1023, %add3A_1024 : vector<256x128xf32>
    %sub3A_1026 = arith.subf %add3A_1025, %dot_general3A_1019 : vector<256x128xf32>
    %lt3A_1027 = arith.cmpf olt, %sub3A_1026, %select_n3A_1011 : vector<256x128xf32>
    %select_n3A_1028 = arith.select %lt3A_1027, %sub3A_1026, %select_n3A_1011 : vector<256x128xi1>, vector<256x128xf32>
    %jit3A_1029 = arith.constant 6.000000e+01 : f32
    %broadcast_in_dim3A_1030 = vector.broadcast %jit3A_1029 : f32 to vector<256x128xf32>
    %select_n3A_1031 = arith.select %lt3A_1027, %broadcast_in_dim3A_1030, %select_n3A_1014 : vector<256x128xi1>, vector<256x128xf32>
    %get3A_1032 = arith.constant 7808 : index
    %get3A_1033 = arith.constant 0 : index
    %get3A_1034 = vector.load %arg3[%get3A_1032, %get3A_1033] : memref<8192x32xf32, #tpu.memory_space<vmem>>, vector<128x32xf32>
    %dot_general3A_1035 = arith.constant dense<0.000000e+00> : vector<256x128xf32>
    %dot_general3A_1036 = tpu.matmul %add3A, %get3A_1034, %dot_general3A_1035 {dimension_numbers = #tpu.dot_dimension_numbers<[1], [1], [0], [0], [0, 0, 1, 0], [], []>, transpose_lhs_hint = false} : vector<256x32xf32>, vector<128x32xf32>, vector<256x128xf32> -> vector<256x128xf32>
    %get3A_1037 = arith.constant 0 : index
    %get3A_1038 = arith.constant 7808 : index
    %get3A_1039 = vector.load %arg2[%get3A_1037, %get3A_1038] : memref<1x8192xf32, #tpu.memory_space<vmem>>, vector<1x128xf32>
    %add3A_1040 = vector.broadcast %broadcast_in_dim3A : vector<256x1xf32> to vector<256x128xf32>
    %add3A_1041 = vector.broadcast %get3A_1039 : vector<1x128xf32> to vector<256x128xf32>
    %add3A_1042 = arith.addf %add3A_1040, %add3A_1041 : vector<256x128xf32>
    %sub3A_1043 = arith.subf %add3A_1042, %dot_general3A_1036 : vector<256x128xf32>
    %lt3A_1044 = arith.cmpf olt, %sub3A_1043, %select_n3A_1028 : vector<256x128xf32>
    %select_n3A_1045 = arith.select %lt3A_1044, %sub3A_1043, %select_n3A_1028 : vector<256x128xi1>, vector<256x128xf32>
    %jit3A_1046 = arith.constant 6.100000e+01 : f32
    %broadcast_in_dim3A_1047 = vector.broadcast %jit3A_1046 : f32 to vector<256x128xf32>
    %select_n3A_1048 = arith.select %lt3A_1044, %broadcast_in_dim3A_1047, %select_n3A_1031 : vector<256x128xi1>, vector<256x128xf32>
    %get3A_1049 = arith.constant 7936 : index
    %get3A_1050 = arith.constant 0 : index
    %get3A_1051 = vector.load %arg3[%get3A_1049, %get3A_1050] : memref<8192x32xf32, #tpu.memory_space<vmem>>, vector<128x32xf32>
    %dot_general3A_1052 = arith.constant dense<0.000000e+00> : vector<256x128xf32>
    %dot_general3A_1053 = tpu.matmul %add3A, %get3A_1051, %dot_general3A_1052 {dimension_numbers = #tpu.dot_dimension_numbers<[1], [1], [0], [0], [0, 0, 1, 0], [], []>, transpose_lhs_hint = false} : vector<256x32xf32>, vector<128x32xf32>, vector<256x128xf32> -> vector<256x128xf32>
    %get3A_1054 = arith.constant 0 : index
    %get3A_1055 = arith.constant 7936 : index
    %get3A_1056 = vector.load %arg2[%get3A_1054, %get3A_1055] : memref<1x8192xf32, #tpu.memory_space<vmem>>, vector<1x128xf32>
    %add3A_1057 = vector.broadcast %broadcast_in_dim3A : vector<256x1xf32> to vector<256x128xf32>
    %add3A_1058 = vector.broadcast %get3A_1056 : vector<1x128xf32> to vector<256x128xf32>
    %add3A_1059 = arith.addf %add3A_1057, %add3A_1058 : vector<256x128xf32>
    %sub3A_1060 = arith.subf %add3A_1059, %dot_general3A_1053 : vector<256x128xf32>
    %lt3A_1061 = arith.cmpf olt, %sub3A_1060, %select_n3A_1045 : vector<256x128xf32>
    %select_n3A_1062 = arith.select %lt3A_1061, %sub3A_1060, %select_n3A_1045 : vector<256x128xi1>, vector<256x128xf32>
    %jit3A_1063 = arith.constant 6.200000e+01 : f32
    %broadcast_in_dim3A_1064 = vector.broadcast %jit3A_1063 : f32 to vector<256x128xf32>
    %select_n3A_1065 = arith.select %lt3A_1061, %broadcast_in_dim3A_1064, %select_n3A_1048 : vector<256x128xi1>, vector<256x128xf32>
    %get3A_1066 = arith.constant 8064 : index
    %get3A_1067 = arith.constant 0 : index
    %get3A_1068 = vector.load %arg3[%get3A_1066, %get3A_1067] : memref<8192x32xf32, #tpu.memory_space<vmem>>, vector<128x32xf32>
    %dot_general3A_1069 = arith.constant dense<0.000000e+00> : vector<256x128xf32>
    %dot_general3A_1070 = tpu.matmul %add3A, %get3A_1068, %dot_general3A_1069 {dimension_numbers = #tpu.dot_dimension_numbers<[1], [1], [0], [0], [0, 0, 1, 0], [], []>, transpose_lhs_hint = false} : vector<256x32xf32>, vector<128x32xf32>, vector<256x128xf32> -> vector<256x128xf32>
    %get3A_1071 = arith.constant 0 : index
    %get3A_1072 = arith.constant 8064 : index
    %get3A_1073 = vector.load %arg2[%get3A_1071, %get3A_1072] : memref<1x8192xf32, #tpu.memory_space<vmem>>, vector<1x128xf32>
    %add3A_1074 = vector.broadcast %broadcast_in_dim3A : vector<256x1xf32> to vector<256x128xf32>
    %add3A_1075 = vector.broadcast %get3A_1073 : vector<1x128xf32> to vector<256x128xf32>
    %add3A_1076 = arith.addf %add3A_1074, %add3A_1075 : vector<256x128xf32>
    %sub3A_1077 = arith.subf %add3A_1076, %dot_general3A_1070 : vector<256x128xf32>
    %lt3A_1078 = arith.cmpf olt, %sub3A_1077, %select_n3A_1062 : vector<256x128xf32>
    %select_n3A_1079 = arith.select %lt3A_1078, %sub3A_1077, %select_n3A_1062 : vector<256x128xi1>, vector<256x128xf32>
    %jit3A_1080 = arith.constant 6.300000e+01 : f32
    %broadcast_in_dim3A_1081 = vector.broadcast %jit3A_1080 : f32 to vector<256x128xf32>
    %select_n3A_1082 = arith.select %lt3A_1078, %broadcast_in_dim3A_1081, %select_n3A_1065 : vector<256x128xi1>, vector<256x128xf32>
    %reduce_min3A = arith.constant dense<0x7F800000> : vector<256xf32>
    %reduce_min3A_1083 = vector.multi_reduction <minimumf>, %select_n3A_1079, %reduce_min3A [1] : vector<256x128xf32> to vector<256xf32>
    %broadcast_in_dim3A_1084 = vector.shape_cast %reduce_min3A_1083 : vector<256xf32> to vector<256x1xf32>
    %iota3A = tpu.iota {dimensions = array<i32: 1>} : vector<256x128xi32>
    %convert_element_type3A = arith.sitofp %iota3A : vector<256x128xi32> to vector<256x128xf32>
    %mul3A_1085 = arith.constant 1.280000e+02 : f32
    %mul3A_1086 = vector.broadcast %mul3A_1085 : f32 to vector<256x128xf32>
    %mul3A_1087 = arith.mulf %select_n3A_1082, %mul3A_1086 : vector<256x128xf32>
    %add3A_1088 = arith.addf %mul3A_1087, %convert_element_type3A : vector<256x128xf32>
    %eq3A = vector.broadcast %broadcast_in_dim3A_1084 : vector<256x1xf32> to vector<256x128xf32>
    %eq3A_1089 = arith.cmpf oeq, %select_n3A_1079, %eq3A : vector<256x128xf32>
    %jit3A_1090 = arith.constant 8.192000e+03 : f32
    %broadcast_in_dim3A_1091 = vector.broadcast %jit3A_1090 : f32 to vector<256x128xf32>
    %select_n3A_1092 = arith.select %eq3A_1089, %add3A_1088, %broadcast_in_dim3A_1091 : vector<256x128xi1>, vector<256x128xf32>
    %reduce_min3A_1093 = arith.constant dense<0x7F800000> : vector<256xf32>
    %reduce_min3A_1094 = vector.multi_reduction <minimumf>, %select_n3A_1092, %reduce_min3A_1093 [1] : vector<256x128xf32> to vector<256xf32>
    %convert_element_type3A_1095 = arith.fptosi %reduce_min3A_1094 : vector<256xf32> to vector<256xi32>
    %swap3A = arith.constant 0 : index
    %swap3A_1096 = vector.load %arg4[%swap3A] : memref<256xi32, #tpu.memory_space<vmem>>, vector<256xi32>
    tpu.vector_store %arg4[%swap3A], %convert_element_type3A_1095 {strides = array<i32>} : memref<256xi32, #tpu.memory_space<vmem>>, vector<256xi32>,
    return
  }
  func.func @transform_0(%arg0: i32) -> (i32, i32) {
    %c0_i32 = arith.constant 0 : i32
    %c0_i32_0 = arith.constant 0 : i32
    return %arg0, %c0_i32 : i32, i32
  }
  func.func @transform_1(%arg0: i32) -> (i32, i32) {
    %c0_i32 = arith.constant 0 : i32
    %c0_i32_0 = arith.constant 0 : i32
    %c0_i32_1 = arith.constant 0 : i32
    return %c0_i32, %c0_i32_0 : i32, i32
  }
  func.func @transform_2(%arg0: i32) -> (i32, i32) {
    %c0_i32 = arith.constant 0 : i32
    %c0_i32_0 = arith.constant 0 : i32
    %c0_i32_1 = arith.constant 0 : i32
    return %c0_i32, %c0_i32_0 : i32, i32
  }
  func.func @transform_3(%arg0: i32) -> i32 {
    %c0_i32 = arith.constant 0 : i32
    return %arg0 : i32
  }
}

</mosaic_0001>

<sc_bundles>
// kernel: kernel.4.cloned.1.call-start
scs
__scs_entry_jumppad:
0x0: {  	(pc) =	sbr.rel $0x88, $3  }
0x1: {  	(tag) =	ssettag $0x0;
	lr =	simm.s32 $0x1  }
0x2: {  	[smem:$0x3F9F] =	sst lr;
	_ =	strace $0xD0000000  }
0x3: {  	_ = 	snop  }
0x4: {  	_ = 	snop  }
0x5: {  	_ = 	snop  }
0x6: {  	_ = 	snop  }
0x7: {  	_ = 	snop  }
__scs_overlays_trampoline_lowered:
0x8: {  	[smem:$0x3FAE] =	sst s0  }
0x9: {  	[smem:$0x3FAF] =	sst s1  }
0xa: {  	[smem:$0x3FB0] =	sst s2  }
0xb: {  	[smem:$0x3FB1] =	sst s3  }
0xc: {  	[smem:$0x3FB2] =	sst s4  }
0xd: {  	[smem:$0x3FB3] =	sst s5  }
0xe: {  	[smem:$0x3FB4] =	sst s6  }
0xf: {  	[smem:$0x3FB5] =	sst s7  }
0x10: {  	[smem:$0x3FB6] =	sst s8  }
0x11: {  	[smem:$0x3FB7] =	sst s9;
	s0 =	simm.s32 @!p0 $0x0  }
0x12: {  	s1 =	sld [smem:$0x3F9D];
	s0 =	simm.s32 @p0 $0x1  }
0x13: {  	[smem:$0x3FB8] =	sst s0;
	s0 =	simm.s32 @!p1 $0x0  }
0x14: {  	s2 =	sld [smem:$0x3F9C];
	s0 =	simm.s32 @p1 $0x1  }
0x15: {  	[smem:$0x3FB9] =	sst s0;
	s0 =	simm.s32 @!p2 $0x0  }
0x16: {  	s3 =	sld [smem:$0x3FDB];
	s0 =	simm.s32 @p2 $0x1  }
0x17: {  	s4 =	simm.s32 $0x1BF5;
	[smem:$0x3FBB] =	sst s0  }
0x18: {  	s0 =	sld [smem:$0x3F9E];
	_ =	swait.ge [sflag:s4], $0x0  }
0x19: {  	s7 =	sld [smem:$0x3F9F]  }
0x1a: {  	s8 =	sadd.s32 $0xFFFFE003, lr  }
0x1b: {  	s9 =	sadd.s32 $0xFFFFFEF7, lr;
	s5 =	simm.s32 $0xFFFFFFFF;
	p2 =	slt.u32 s8, $0xFFFFF086  }
0x1c: {  	p1 =	slt.u32 s9, $0xF7A;
	s5 =	simm.s32 @!p2 $0x0  }
0x1d: {  	s5 =	simm.s32 @p1 $0x1;
	p0 =	seq.s32 s7, s2  }
0x1e: {  	s7 =	smul.u32 @!p0 $0xF7A, s2;
	p2 =	seq.s32 @!p0 s5, $0x0  }
0x1f: {  	s9 =	smul.u32 $0xF7A, s1;
	s8 =	simm.s32 @!p0 $0x1BF5;
	p2 =	por !p2, p0  }
0x20: {  	[sflag:s8] =	ssyncset.s32 @!p0 $0xFFFFF086;
	s6 =	sadd.s32 @!p0 s3, s7;
	s7 =	simm.s32 @!p0 $0x108  }
0x21: {  	s3 =	sadd.s32 s3, s9;
	s6 =	sadd.s32 @!p0 $0x88, s6;
	s7 =	simm.s32 @p2 $0x1082  }
0x22: {  	[simem:s7], [sflag:s8] =	dma.local @!p0 [hbm:s6], $0xF7A  }
0x23: {  	s9 =	sor.u32 $0xD0000000, s2;
	s6 =	simm.s32 $0x108;
	_ =	swait.ge @!p0 [sflag:s8], $0x0  }
0x24: {  	s3 =	sadd.s32 $0x88, s3;
	s6 =	simm.s32 @!p1 $0x1082;
	[sflag:s4] =	ssyncset.s32 $0xFFFFF086  }
0x25: {  	[simem:s6], [sflag:s4] =	dma.local [hbm:s3], $0xF7A  }
0x26: {  	[smem:$0x3F9F] =	sst s1;
	(tag) =	ssettag s2;
	_ =	strace s9  }
0x27: {  	s1 =	sld [smem:$0x3FAF]  }
0x28: {  	s2 =	sld [smem:$0x3FB0]  }
0x29: {  	s4 =	sld [smem:$0x3FB2]  }
0x2a: {  	p0 =	seq.s32 s5, $0x0;
	s5 =	sld [smem:$0x3FB3]  }
0x2b: {  	s6 =	sld [smem:$0x3FB4]  }
0x2c: {  	s7 =	sld [smem:$0x3FB5]  }
0x2d: {  	s3 =	simm.s32 $0x108;
	s8 =	sld [smem:$0x3FB6]  }
0x2e: {  	s3 =	simm.s32 @!p0 $0x1082;
	s9 =	sld [smem:$0x3FB7]  }
0x2f: {  	lr =	sadd.s32 s0, s3;
	s0 =	sld [smem:$0x3FAE]  }
0x30: {  	s3 =	sld [smem:$0x3FB1]  }
0x31: {  	[smem:$0x3FBA] =	sst s10  }
0x32: {  	s10 =	sld [smem:$0x3FB8];
	_ =	sdelay $0x3  }
0x33: {  	p0 =	seq.s32 s10, $0x1;
	s10 =	sld [smem:$0x3FBA];
	_ =	sdelay $0x3  }
0x34: {  	[smem:$0x3FBA] =	sst s10  }
0x35: {  	s10 =	sld [smem:$0x3FB9];
	_ =	sdelay $0x3  }
0x36: {  	p1 =	seq.s32 s10, $0x1;
	s10 =	sld [smem:$0x3FBA];
	_ =	sdelay $0x3  }
0x37: {  	[smem:$0x3FBA] =	sst s10  }
0x38: {  	s10 =	sld [smem:$0x3FBB]  }
0x39: {  	_ = 	snop;
	(pc) =	sbr.ind lr, $3  }
0x3a: {  	_ = 	snop  }
0x3b: {  	_ = 	snop  }
0x3c: {  	p2 =	seq.s32 s10, $0x1;
	s10 =	sld [smem:$0x3FBA]  }
0x3d: {  	_ =	shalt  }
0x3e: {  	_ =	shalt  }
0x3f: {  	_ =	shalt  }
0x40: {  	_ =	shalt  }
0x41: {  	_ =	shalt  }
0x42: {  	_ =	shalt  }
0x43: {  	_ =	shalt  }
0x44: {  	_ =	shalt  }
0x45: {  	_ =	shalt  }
0x46: {  	_ =	shalt  }
0x47: {  	_ =	shalt  }
0x48: {  	_ =	shalt  }
0x49: {  	_ =	shalt  }
0x4a: {  	_ =	shalt  }
0x4b: {  	_ =	shalt  }
0x4c: {  	_ =	shalt  }
0x4d: {  	_ =	shalt  }
0x4e: {  	_ =	shalt  }
0x4f: {  	_ =	shalt  }
0x50: {  	_ =	shalt  }
0x51: {  	_ =	shalt  }
0x52: {  	_ =	shalt  }
0x53: {  	_ =	shalt  }
0x54: {  	_ =	shalt  }
0x55: {  	_ =	shalt  }
0x56: {  	_ =	shalt  }
0x57: {  	_ =	shalt  }
0x58: {  	_ =	shalt  }
0x59: {  	_ =	shalt  }
0x5a: {  	_ =	shalt  }
0x5b: {  	_ =	shalt  }
0x5c: {  	_ =	shalt  }
0x5d: {  	_ =	shalt  }
0x5e: {  	_ =	shalt  }
0x5f: {  	_ =	shalt  }
0x60: {  	_ =	shalt  }
0x61: {  	_ =	shalt  }
0x62: {  	_ =	shalt  }
0x63: {  	_ =	shalt  }
0x64: {  	_ =	shalt  }
0x65: {  	_ =	shalt  }
0x66: {  	_ =	shalt  }
0x67: {  	_ =	shalt  }
0x68: {  	_ =	shalt  }
0x69: {  	_ =	shalt  }
0x6a: {  	_ =	shalt  }
0x6b: {  	_ =	shalt  }
0x6c: {  	_ =	shalt  }
0x6d: {  	_ =	shalt  }
0x6e: {  	_ =	shalt  }
0x6f: {  	_ =	shalt  }
0x70: {  	_ =	shalt  }
0x71: {  	_ =	shalt  }
0x72: {  	_ =	shalt  }
0x73: {  	_ =	shalt  }
0x74: {  	_ =	shalt  }
0x75: {  	_ =	shalt  }
0x76: {  	_ =	shalt  }
0x77: {  	_ =	shalt  }
0x78: {  	_ =	shalt  }
0x79: {  	_ =	shalt  }
0x7a: {  	_ =	shalt  }
0x7b: {  	_ =	shalt  }
0x7c: {  	_ =	shalt  }
0x7d: {  	_ =	shalt  }
0x7e: {  	_ =	shalt  }
0x7f: {  	_ =	shalt  }
0x80: {  	_ =	shalt  }
0x81: {  	_ =	shalt  }
0x82: {  	_ =	shalt  }
0x83: {  	_ =	shalt  }
0x84: {  	_ =	shalt  }
0x85: {  	_ =	shalt  }
0x86: {  	_ =	shalt  }
0x87: {  	_ =	shalt  }
.Lfunc_end0:
.L_simem_size_0:
called_computation_lowered:
.L_overlay_start_0:
0x88: {  	s2 =	sld [smem:$0x3FD9]  }
0x89: {  	s3 =	sld [smem:$0x3FFE];
	_ =	sdelay $0x1  }
0x8a: {  	s1 =	srdreg.scid  }
0x8b: {  	s0 =	sand.u32 $0x1, s1  }
0x8c: {  	s14 =	sshll.u32 s0, $0xA;
	s2 =	sadd.s32 s3, s2  }
0x8d: {  	s2 =	sadd.s32 s2, s14  }
0x8e: {  	[smem:$0x3FC6] =	sst s2  }
0x8f: {  	_ = 	snop  }
0x90: {  	s2 =	sld [smem:$0x3FD0];
	_ =	sdelay $0x2  }
0x91: {  	s15 =	simm.s32 $0xA;
	s4 =	simm.s32 $0x10  }
0x92: {  	[smem:s4], [sflag:s15] =	dma.local [hbm:s2], $0x1  }
0x93: {  	_ =	swait.eq [sflag:s15], $0x1  }
0x94: {  	[sflag:s15] =	ssyncset.done $0x0  }
0x95: {  	[sflag:s15] =	ssyncadd.s32 $0xFFFFFFFF  }
0x96: {  	s16 =	sld [smem:$0x11];
	(tm) =	ssettm $0x1  }
0x97: {  	s17 =	sld [smem:$0x3FFB];
	_ =	sdelay $0x3  }
0x98: {  	_ =	strace s17  }
0x99: {  	s3 =	sld [smem:$0x3FFC];
	_ =	sdelay $0x3  }
0x9a: {  	_ =	strace s3  }
0x9b: {  	s3 =	sld [smem:$0x3FFD];
	_ =	sdelay $0x3  }
0x9c: {  	_ =	strace s3  }
0x9d: {  	_ =	strace $0x8FFFFFFF  }
0x9e: {  	s18 =	sld [smem:$0x3FDB];
	_ =	sdelay $0x1  }
0x9f: {  	s19 =	simm.s32 $_scs_section_size  }
0xa0: {  	s5 =	simm.s32 $_size__tile_overlayer_lowered;
	s6 =	simm.s32 $_tile_overlayer_lowered  }
0xa1: {  	s22 =	simm.s32 $0x1BFF;
	s21 =	sshll.u32 s6, $0x1;
	s3 =	sadd.s32 s19, s18  }
0xa2: {  	s7 =	simm.s32 $0x0;
	s20 =	sshll.u32 s5, $0x1;
	s5 =	sadd.s32 s21, s3  }
0xa3: {  	[timem:s7], [sflag:s22] =	dma.local [hbm:s5], s20  }
0xa4: {  	_ =	swait.ge [sflag:s22], s20  }
0xa5: {  	s4 =	ssub.s32 $0x0, s20;
	[sflag:s22] =	ssyncset.done $0x0  }
0xa6: {  	[sflag:s22] =	ssyncadd.s32 s4;
	_ =	sdelay $0x1  }
0xa7: {  	s23 =	simm.s32 $0x1B8B  }
0xa8: {  	_ =	swait.ge [sflag:s23], $0x1  }
0xa9: {  	[sflag:s23] =	ssyncset.done $0x0  }
0xaa: {  	s25 =	simm.s32 $0x1B8E;
	s24 =	sld [smem:$0x3FFE];
	[sflag:s23] =	ssyncadd.s32 $0xFFFFFFFF  }
0xab: {  	s26 =	simm.s32 $execute0_lowered;
	[smem:$0x3FD2] =	sst s25  }
0xac: {  	s5 =	sshll.u32 s26, $0x1;
	_ =	strace $0x80000046;
	[dreg:$0x1] =	wrdreg $0xFFFFFFFF  }
0xad: {  	s28 =	simm.s32 $_size_execute0_lowered;
	s3 =	sadd.s32 s3, s5;
	[dreg:$0x0] =	wrdreg $0x0  }
0xae: {  	s5 =	sshll.u32 s28, $0x1;
	[dreg:$0x2] =	wrdreg s3  }
0xaf: {  	[dreg:$0x3] =	wrdreg s5  }
0xb0: {  	[dreg:$0x4] =	wrdreg $0xC0  }
0xb1: {  	_ =	task [dreg:s7], $0x5FFFF  }
0xb2: {  	[dreg:$0x1] =	wrdreg $0xFFFFFFFF  }
0xb3: {  	[dreg:$0x0] =	wrdreg $0x60  }
0xb4: {  	[dreg:$0x2] =	wrdreg s16  }
0xb5: {  	[dreg:$0x3] =	wrdreg s24  }
0xb6: {  	[dreg:$0x4] =	wrdreg $0x9  }
0xb7: {  	_ =	task.clear_ibuf [dreg:s7], $0x5FFFF;
	_ =	strace $0x90000046  }
0xb8: {  	s29 =	simm.s32 $0x9;
	_ =	strace $0x80000048  }
0xb9: {  	_ =	swait.ge [sflag:s29], $0x1  }
0xba: {  	[sflag:s29] =	ssyncadd.s32 $0xFFFFFFFF  }
0xbb: {  	_ =	strace $0x90000048  }
0xbc: {  	_ =	sfence  }
0xbd: {  	s30 =	sld [smem:$0x0];
	_ =	sdelay $0x2  }
0xbe: {  	s31 =	sshll.u32 s1, $0xD;
	s1 =	sshrl.u32 s1, $0x2  }
0xbf: {  	s3 =	sand.u32 $0x4000, s31;
	s1 =	sadd.s32 s1, s30  }
0xc0: {  	s0 =	sor.u32 s3, s0;
	s1 =	sshll.u32 s1, $0x11  }
0xc1: {  	s0 =	sor.u32 s1, s0  }
0xc2: {  	s0 =	sadd.s32 $0x8F2B, s0  }
0xc3: {  	[sflag:s0] =	ssyncadd.remote.s32 $0x1  }
0xc4: {  	_ =	sfence.sel $0xFFFF  }
0xc5: {  	[dreg:$0x0] =	wrdreg $0xFFFFFFFF;
	(pc) =	sbr.abs _section_cstart, $3  }
0xc6: {  	[dreg:$0x1] =	wrdreg $0xFFFFFFFF  }
0xc7: {  	_ =	task.clear_ibuf [dreg:s7], $0x2FFFF;
	_ =	strace $0x9FFFFFFF  }
0xc8: {  	(tm) =	ssettm $0x7FFFFFFF  }
0xc9: {  	_ =	shalt  }
tec
execute0_lowered:
.L_overlay_start_1:
0x0: {  	(tag) =	ssettag $0x1  }
0x1: {  	s2 =	rddreg [dreg:$0x0];
	s1 =	srdreg.scid  }
0x2: {  	s0 =	stileid.u32;
	s4 =	rddreg [dreg:$0x1]  }
0x3: {  	s3 =	simm.s32 $0x0;
	s11 =	simm.s32 $0x80;
	s12 =	simm.s32 $0x2100  }
0x4: {  	s13 =	simm.s32 $0x100;
	s14 =	simm.s32 $0x1100;
	s15 =	simm.s32 $0x1  }
0x5: {  	s16 =	simm.s32 $0x4100;
	s5 =	sand.u32 $0x1, s1;
	s1 =	rddreg [dreg:$0x2]  }
0x6: {  	s17 =	simm.s32 $0x0;
	s6 =	sshll.u32 s0, $0x1;
	[smem:$0x7FF] =	sst s3  }
0x7: {  	s6 =	sor.u32 s5, s6;
	_ =	strace $0x80000047;
	s5 =	ssub.s32 $0x2, s5  }
0x8: {  	s7 =	sshll.u32 s6, $0x5;
	s8 =	sshll.u32 s6, $0xA;
	s6 =	sshll.u32 s6, $0x1  }
0x9: {  	s31 =	sshrl.u32 s5, $0x1;
	s7 =	sadd.s32 s7, s4;
	s8 =	sadd.s32 s8, s4  }
0xa: {  	s9 =	sadd.s32 s6, s4;
	s10 =	ssub.s32 s5, s31;
	s4 =	sadd.s32 $0x8600, s7  }
0xb: {  	s5 =	sadd.s32 $0x8610, s7;
	s6 =	sadd.s32 $0x600, s8;
	s7 =	sadd.s32 $0x8A00, s8  }
0xc: {  	s8 =	sadd.s32 $0x10A00, s9;
	s9 =	smax.u32 s10, $0x1;
	s10 =	simm.s32 $0x2  }
.LBB2_1:
0xd: {  	[tilespmem:s3], [sflag:$0x2] =	stream.linear.gather [hbm4b:s4+s3], $0x80, $0x38;
	[tilespmem:$0x4110] =	vst v63  }
0xe: {  	_ =	swait.ge [sflag:s10], $0x80  }
0xf: {  	[sflag:s10] =	ssyncset.done $0x0  }
0x10: {  	[sflag:s10] =	ssyncadd.s32 $0xFFFFFF80  }
0x11: {  	[tilespmem:s11], [sflag:$0x2] =	stream.linear.gather [hbm4b:s5+s3], $0x80, $0x38;
	[tilespmem:$0x4110] =	vst v63  }
0x12: {  	_ =	swait.ge [sflag:s10], $0x80  }
0x13: {  	[sflag:s10] =	ssyncset.done $0x0  }
0x14: {  	[sflag:s10] =	ssyncadd.s32 $0xFFFFFF80  }
0x15: {  	[tilespmem:s12], [sflag:$0x2] =	stream.linear.gather [hbm4b:s6+s3], $0x2000, $0x38;
	[tilespmem:$0x4110] =	vst v63  }
0x16: {  	_ =	swait.ge [sflag:s10], $0x2000  }
0x17: {  	[sflag:s10] =	ssyncset.done $0x0  }
0x18: {  	[sflag:s10] =	ssyncadd.s32 $0xFFFFE000  }
0x19: {  	[tilespmem:s13], [sflag:$0x1] =	stream.indirect.gather [hbm4b:s2+s11], $0x20, s3, s11, $0xb8;
	[tilespmem:$0x4110] =	vst v63  }
0x1a: {  	_ = 	snop  }
0x1b: {  	[tilespmem:s14], [sflag:$0x1] =	stream.indirect.gather [hbm4b:s2+s11], $0x20, s11, s11, $0xb8;
	[tilespmem:$0x4110] =	vst v63  }
0x1c: {  	_ =	swait.ge [sflag:s15], $0x1000  }
0x1d: {  	[sflag:s15] =	ssyncset.done $0x0  }
0x1e: {  	[sflag:s15] =	ssyncadd.s32 $0xFFFFF000  }
0x1f: {  	_ =	swait.ge [sflag:s15], $0x1000  }
0x20: {  	[sflag:s15] =	ssyncset.done $0x0  }
0x21: {  	s18 =	simm.s32 $0x0;
	[sflag:s15] =	ssyncadd.s32 $0xFFFFF000  }
0x22: {  	v0 =	vld [tilespmem:s18+$0x110]  }
0x23: {  	v1 =	vld [tilespmem:s18+$0x100]  }
0x24: {  	v2 =	vld [tilespmem:s18+$0x2100]  }
0x25: {  	v3 =	vld [tilespmem:s18+$0x2110];
	_ =	sdelay $0x3  }
0x26: {  	v1 =	vsub.f32 v1, v2  }
0x27: {  	v6 =	vsub.f32 v0, v3  }
0x28: {  	s19 =	simm.s32 $0x20;
	v4 =	vadd.f32 v1, v2;
	v2 =	vmul.f32 v1, v1  }
0x29: {  	s20 =	simm.s32 $0x100;
	v0 =	vimm.f32 $0.0e+00;
	v1 =	vld [tilespmem:s19+$0x110];
	v5 =	vadd.f32 v6, v3;
	v3 =	vmul.f32 v6, v6  }
.LBB2_2:
0x2a: {  	p0 =	sne.s32 s20, $0x7F80;
	v6 =	vld [tilespmem:s19+$0x100];
	[tilespmem:s18+$0x2100] =	vst v4;
	v0 =	vadd.f32 v2, v0  }
0x2b: {  	v2 =	vld [tilespmem:s19+$0x2100];
	[tilespmem:s18+$0x2110] =	vst v5;
	s18 =	smov.u32 s19  }
0x2c: {  	v5 =	vld [tilespmem:s18+$0x2110];
	v0 =	vadd.f32 v3, v0;
	_ =	sdelay $0x2  }
.Ltmp0:
0x2d: {  	(pc) =	sbr.rel @p0 .LBB2_2-.Ltmp0, $4  }
0x2e: {  	v3 =	vsub.f32 v6, v2  }
0x2f: {  	v6 =	vsub.f32 v1, v5  }
0x30: {  	s19 =	sshra.s32 s20, $0x2;
	v4 =	vadd.f32 v3, v2;
	v2 =	vmul.f32 v3, v3  }
0x31: {  	s20 =	sadd.s32 $0x80, s20;
	v1 =	vld [tilespmem:s19+$0x110];
	v5 =	vadd.f32 v6, v5;
	v3 =	vmul.f32 v6, v6  }
0x32: {  	v6 =	vld [tilespmem:s19+$0x100];
	[tilespmem:s18+$0x2100] =	vst v4  }
0x33: {  	v4 =	vld [tilespmem:s19+$0x2100]  }
0x34: {  	[tilespmem:s18+$0x2110] =	vst v5  }
0x35: {  	v5 =	vld [tilespmem:s19+$0x2110];
	_ =	sdelay $0x2  }
0x36: {  	v0 =	vadd.f32 v2, v0;
	v61 =	vsub.f32 v6, v4;
	_ =	sdelay $0x1  }
0x37: {  	v0 =	vadd.f32 v3, v0;
	v1 =	vsub.f32 v1, v5;
	v62 =	vmul.f32 v61, v61;
	_ =	sdelay $0x1  }
0x38: {  	v2 =	vadd.f32 v61, v4;
	v63 =	vmul.f32 v1, v1;
	v0 =	vadd.f32 v62, v0  }
0x39: {  	v1 =	vadd.f32 v1, v5  }
0x3a: {  	[tilespmem:s19+$0x2100] =	vst v2;
	v0 =	vadd.f32 v63, v0  }
0x3b: {  	[tilespmem:s19+$0x2110] =	vst v1  }
0x3c: {  	[tilespmem:$0x4100] =	vst v0  }
0x3d: {  	[hbm4b:s7+s3] =	stream.linear.scatter [tilespmem:s12], [sflag:$0x2], $0x2000, $0x38;
	[tilespmem:$0x4110] =	vst v63  }
0x3e: {  	s17 =	sadd.s32 $0x1, s17;
	_ =	swait.ge [sflag:s10], $0x2000  }
0x3f: {  	p0 =	sne.s32 s17, s9;
	[sflag:s10] =	ssyncset.done $0x0  }
.Ltmp1:
0x40: {  	[sflag:s10] =	ssyncadd.s32 $0xFFFFE000;
	(pc) =	sbr.rel @p0 .LBB2_1-.Ltmp1, $4  }
0x41: {  	[hbm4b:s8+s3] =	stream.linear.scatter [tilespmem:s16], [sflag:$0x2], $0x10, $0x38;
	[tilespmem:$0x4110] =	vst v63  }
0x42: {  	_ =	swait.ge [sflag:s10], $0x10  }
0x43: {  	[sflag:s10] =	ssyncset.done $0x0  }
0x44: {  	[sflag:s10] =	ssyncadd.s32 $0xFFFFFFF0  }
0x45: {  	_ =	sfence.sel $0x180000  }
0x46: {  	[bflag:$0x0] =	sbarrier.arrive $0xFFFF  }
0x47: {  	p0 =	sne.s32 s0, $0x0;
	_ =	strace $0x90000047  }
0x48: {  	s0 =	sadd.s32 @!p0 $0x100000, s1;
	[bflag:$0x2] =	sbarrier.arrive $0xFFFF  }
0x49: {  	[sflag:s0] =	ssyncadd.tile.s32 @!p0 $0x1;
	_ =	shalt  }
.Lfunc_end2:
_tile_overlayer_lowered:
.L_overlay_start_2:
0x4a: {  	(tag) =	ssettag $0x2  }
0x4b: {  	s0 =	rddreg [dreg:$0x0];
	s2 =	stileid.u32  }
0x4c: {  	s1 =	rddreg [dreg:$0x1];
	p0 =	sne.s32 s2, $0x0  }
0x4d: {  	s3 =	rddreg [dreg:$0x2];
	[bflag:$0x3] =	sbarrier.arrive $0xFFFF;
	s2 =	simm.s32 @!p0 $0x1C02  }
0x4e: {  	[timem:s3], [sflag:s2] =	dma.local @!p0 [hbm:s0], s1  }
0x4f: {  	s0 =	simm.s32 @!p0 $0x2  }
0x50: {  	_ =	swait.ge @!p0 [sflag:s0], s1  }
0x51: {  	s1 =	ssub.s32 @!p0 $0x0, s1;
	[sflag:s0] =	ssyncset.done @!p0 $0x0  }
0x52: {  	[sflag:s0] =	ssyncadd.s32 @!p0 s1  }
0x53: {  	[bflag:$0x3] =	sbarrier.arrive $0xFFFF  }
0x54: {  	_ =	shalt  }

</sc_bundles>
